<compile_context>
chip_gen: v7x
topology: tpu7x:2x2x1
jax: 0.10.2.dev20260603
libtpu: 0.0.44.dev20260713+nightly
codegen_flags: <defaults>
</compile_context>

<pallas_src>
import functools

import jax
import jax.numpy as jnp
from jax import lax
from jax.experimental import pallas as pl
from jax.experimental.pallas import tpu as pltpu
from jax.experimental.pallas import tpu_sc as plsc

_EMB = 128
_HID = 64
_B_TEMP = 0.5
_NC = 2
_NS = 16
_NT = _NC * _NS
_C = 128


def _tc_tables_body(ne_ref, w1_ref, b1_ref, p_ref, q_ref):
    blk = ne_ref[...]
    w1a = w1_ref[0:_EMB, :]
    w1b = w1_ref[_EMB : 2 * _EMB, :]
    p_ref[...] = (
        jnp.dot(blk, w1a, preferred_element_type=jnp.float32) + b1_ref[...]
    )
    q_ref[...] = jnp.dot(blk, w1b, preferred_element_type=jnp.float32)


def _make_tables(node_emb, W1, b1):
    n_nodes = node_emb.shape[0]
    blk = 1000
    grid = n_nodes // blk
    return pl.pallas_call(
        _tc_tables_body,
        grid=(grid,),
        in_specs=[
            pl.BlockSpec((blk, _EMB), lambda i: (i, 0)),
            pl.BlockSpec((2 * _EMB, _HID), lambda i: (0, 0)),
            pl.BlockSpec((1, _HID), lambda i: (0, 0)),
        ],
        out_specs=[
            pl.BlockSpec((blk, _HID), lambda i: (i, 0)),
            pl.BlockSpec((blk, _HID), lambda i: (i, 0)),
        ],
        out_shape=[
            jax.ShapeDtypeStruct((n_nodes, _HID), jnp.float32),
            jax.ShapeDtypeStruct((n_nodes, _HID), jnp.float32),
        ],
    )(node_emb, W1, b1.reshape(1, _HID))


def _make_sc_kernel(chunks):
    mesh = plsc.VectorSubcoreMesh(core_axis_name="c", subcore_axis_name="s")

    @functools.partial(
        pl.kernel,
        out_type=[
            jax.ShapeDtypeStruct((_NT, chunks, _C), jnp.float32),
            jax.ShapeDtypeStruct((_NT, 16), jnp.float32),
        ],
        mesh=mesh,
        compiler_params=pltpu.CompilerParams(
            needs_layout_passes=False, use_tc_tiling_on_sc=False
        ),
        scratch_types=[
            pltpu.VMEM((chunks, _C), jnp.int32),
            pltpu.VMEM((chunks, _C), jnp.int32),
            pltpu.VMEM((chunks, _C), jnp.float32),
            pltpu.VMEM((chunks, _C), jnp.float32),
            pltpu.VMEM((_C, _HID), jnp.float32),
            pltpu.VMEM((_C,), jnp.float32),
            pltpu.VMEM((_HID,), jnp.float32),
            pltpu.VMEM((16,), jnp.float32),
            pltpu.SemaphoreType.DMA,
        ],
    )
    def sc_edges(
        p_hbm, q_hbm, src_hbm, dst_hbm, ev_hbm, n2_hbm, w2_hbm,
        out_hbm, acc_hbm,
        srct, dstt, evt, n2t, pqbuf, obuf, w2t, accv, sem,
    ):
        cid = lax.axis_index("c")
        sid = lax.axis_index("s")
        wid = sid * _NC + cid
        pltpu.sync_copy(src_hbm.at[wid], srct)
        pltpu.sync_copy(dst_hbm.at[wid], dstt)
        pltpu.sync_copy(ev_hbm.at[wid], evt)
        pltpu.sync_copy(n2_hbm.at[wid], n2t)
        pltpu.sync_copy(w2_hbm, w2t)
        w2regs = [w2t[pl.ds(16 * k, 16)] for k in range(_HID // 16)]
        lanes = lax.iota(jnp.int32, 16)

        def chunk_body(ci, acc):
            pltpu.async_copy(p_hbm.at[srct.at[ci]], pqbuf, sem).wait()
            pltpu.async_copy(q_hbm.at[dstt.at[ci]], pqbuf, sem, add=True).wait()

            def grp_body(gi, acc):
                base = gi * 16
                rows = lanes + base
                lv = jnp.zeros((16,), jnp.float32)
                for j in range(_HID):
                    col = jnp.full((16,), j, jnp.int32)
                    pq = plsc.load_gather(pqbuf, [rows, col])
                    w2s = w2regs[j // 16][j % 16]
                    lv = lv + jnp.maximum(pq, 0.0) * w2s
                s = pl.ds(base, 16)
                x = n2t[ci, s] + lv
                g = 1.0 / (1.0 + jnp.exp(-x))
                acc = acc + g
                obuf[s] = evt[ci, s] * g
                return acc

            acc = lax.fori_loop(0, _C // 16, grp_body, acc)
            pltpu.sync_copy(obuf, out_hbm.at[wid, ci])
            return acc

        acc = lax.fori_loop(
            0, chunks, chunk_body, jnp.zeros((16,), jnp.float32)
        )
        accv[...] = acc
        pltpu.sync_copy(accv, acc_hbm.at[wid])

    return sc_edges


def kernel(user_emb, item_emb, edge_index, edge_values, W1, b1, W2, b2):
    node_emb = jnp.concatenate([user_emb, item_emb], axis=0)
    half = edge_index.shape[1] // 2
    src = edge_index[0, :half]
    dst = edge_index[1, :half]

    P, Q = _make_tables(node_emb, W1, b1)

    bias = 0.0 + 0.0001
    eps_key = jax.random.key(42)
    eps = (bias - (1.0 - bias)) * jax.random.uniform(
        eps_key, (half, 1), dtype=jnp.float32
    ) + (1.0 - bias)
    noise = jnp.log(eps) - jnp.log(1.0 - eps)
    n2 = (noise[:, 0] + b2[0]) / _B_TEMP

    per_tile_chunks = -(-half // (_NT * _C))
    e_pad = _NT * per_tile_chunks * _C
    padn = e_pad - half

    srcp = jnp.pad(src, (0, padn)).reshape(_NT, per_tile_chunks, _C)
    dstp = jnp.pad(dst, (0, padn)).reshape(_NT, per_tile_chunks, _C)
    evp = jnp.pad(edge_values[:half], (0, padn)).reshape(
        _NT, per_tile_chunks, _C
    )
    n2p = jnp.pad(n2, (0, padn), constant_values=-100.0).reshape(
        _NT, per_tile_chunks, _C
    )
    w2x = W2[:, 0] / _B_TEMP

    outv, accp = _make_sc_kernel(per_tile_chunks)(
        P, Q, srcp, dstp, evp, n2p, w2x
    )

    new_vals = outv.reshape(-1)[:half]
    mean_edge_weight = jnp.sum(accp) / half
    sym_vals = jnp.concatenate([new_vals, new_vals])
    sym_rows = jnp.concatenate([src, dst])
    sym_cols = jnp.concatenate([dst, src])
    return sym_vals, sym_rows, sym_cols, mean_edge_weight

# --- scband reference (transcript-rebuilt; emitter-appended) ---
"""Pipeline reference for scband-bern-edge-augmenter-16724602651082 (READ-ONLY COPY).

The authoritative reference and input builder live on the scoring server;
editing this copy changes nothing except your own understanding.
"""

import jax, jax.numpy as jnp
import numpy as np

EMB_DIM = 128
MLP_DIM = 64
B_TEMP = 0.5
N_USERS = 5000
N_ITEMS = 5000
N_NODES = N_USERS + N_ITEMS
N_EDGES = 320000


def setup_inputs(seed: int = 0) -> dict:
    key = jax.random.key(seed)
    ks = jax.random.split(key, 8)
    user_emb = jax.random.normal(ks[0], (N_USERS, EMB_DIM), dtype=jnp.float32)
    item_emb = jax.random.normal(ks[1], (N_ITEMS, EMB_DIM), dtype=jnp.float32)
    edge_index = jax.random.randint(ks[2], (2, N_EDGES), 0, N_NODES, dtype=jnp.int32)
    edge_values = jax.random.uniform(ks[3], (N_EDGES,), dtype=jnp.float32)
    # xavier_uniform init for the 2-layer edge MLP, biases zero (matches init_emb)
    s1 = float(np.sqrt(6.0 / (2 * EMB_DIM + MLP_DIM)))
    W1 = jax.random.uniform(ks[4], (2 * EMB_DIM, MLP_DIM), minval=-s1, maxval=s1, dtype=jnp.float32)
    b1 = jnp.zeros((MLP_DIM,), dtype=jnp.float32)
    s2 = float(np.sqrt(6.0 / (MLP_DIM + 1)))
    W2 = jax.random.uniform(ks[5], (MLP_DIM, 1), minval=-s2, maxval=s2, dtype=jnp.float32)
    b2 = jnp.zeros((1,), dtype=jnp.float32)
    return {"user_emb": user_emb, "item_emb": item_emb, "edge_index": edge_index,
            "edge_values": edge_values, "W1": W1, "b1": b1, "W2": W2, "b2": b2}


def reference(user_emb, item_emb, edge_index, edge_values, W1, b1, W2, b2):
    node_emb = jnp.concatenate([user_emb, item_emb], axis=0)
    len_edges = edge_index.shape[1]
    half = len_edges // 2
    src = edge_index[0, :half]
    dst = edge_index[1, :half]
    emb_src = jnp.take(node_emb, src, axis=0)
    emb_dst = jnp.take(node_emb, dst, axis=0)
    edge_emb = jnp.concatenate([emb_src, emb_dst], axis=1)
    h = jax.nn.relu(edge_emb @ W1 + b1)
    edge_logits = h @ W2 + b2  # [half, 1]
    bias = 0.0 + 0.0001
    eps_key = jax.random.key(42)
    eps = (bias - (1.0 - bias)) * jax.random.uniform(eps_key, edge_logits.shape, dtype=jnp.float32) + (1.0 - bias)
    gate_inputs = jnp.log(eps) - jnp.log(1.0 - eps)
    gate_inputs = (gate_inputs + edge_logits) / B_TEMP
    aug_edge_weight = jax.nn.sigmoid(gate_inputs).squeeze(-1)  # [half]
    mean_edge_weight = jnp.sum(aug_edge_weight) / half
    new_vals = edge_values[:half] * aug_edge_weight
    # n_adj = coo(src,dst,new_vals); n_adj += n_adj.T  -> symmetric COO representation
    sym_vals = jnp.concatenate([new_vals, new_vals])
    sym_rows = jnp.concatenate([src, dst])
    sym_cols = jnp.concatenate([dst, src])
    return sym_vals, sym_rows, sym_cols, mean_edge_weight

if __name__ == "__main__":
    import jax
    _d = setup_inputs()
    print(jax.jit(kernel)(*tuple(_d.values())))

</pallas_src>

<mosaic_0001>
#map = affine_map<(d0, d1) -> (0, 0)>
#map1 = affine_map<(d0, d1) -> (0, 0, 0)>
#map2 = affine_map<(d0, d1) -> (0)>
module attributes {stable_mosaic.version = 14 : i64} {
  func.func @sc_edges(%arg0: i32, %arg1: i32, %arg2: memref<10000x64xf32, #tpu.memory_space<hbm>>, %arg3: memref<10000x64xf32, #tpu.memory_space<hbm>>, %arg4: memref<32x40x128xi32, #tpu.memory_space<hbm>>, %arg5: memref<32x40x128xi32, #tpu.memory_space<hbm>>, %arg6: memref<32x40x128xf32, #tpu.memory_space<hbm>>, %arg7: memref<32x40x128xf32, #tpu.memory_space<hbm>>, %arg8: memref<64xf32, #tpu.memory_space<hbm>>, %arg9: memref<32x40x128xf32, #tpu.memory_space<hbm>>, %arg10: memref<32x16xf32, #tpu.memory_space<hbm>>, %arg11: memref<40x128xi32, #tpu.memory_space<vmem>>, %arg12: memref<40x128xi32, #tpu.memory_space<vmem>>, %arg13: memref<40x128xf32, #tpu.memory_space<vmem>>, %arg14: memref<40x128xf32, #tpu.memory_space<vmem>>, %arg15: memref<128x64xf32, #tpu.memory_space<vmem>>, %arg16: memref<128xf32, #tpu.memory_space<vmem>>, %arg17: memref<64xf32, #tpu.memory_space<vmem>>, %arg18: memref<16xf32, #tpu.memory_space<vmem>>, %arg19: memref<!tpu.dma_semaphore, #tpu.memory_space<semaphore_mem>>) attributes {dimension_semantics = [#tpu.dimension_semantics<core_parallel>, #tpu.dimension_semantics<subcore_parallel>], iteration_bounds = array<i64: 2, 16>, scalar_prefetch = 0 : i64, scratch_operands = 9 : i64, tpu.core_type = #tpu.core_type<sc_vector_subcore>, window_params = [{transform_indices = #map}, {transform_indices = #map}, {transform_indices = #map1}, {transform_indices = #map1}, {transform_indices = #map1}, {transform_indices = #map1}, {transform_indices = #map2}, {transform_indices = #map1}, {transform_indices = #map}]} {
    %mul3A = arith.constant 2 : i32
    %mul3A_0 = arith.muli %arg1, %mul3A : i32
    %add3A = arith.addi %mul3A_0, %arg0 : i32
    "tpu.region"() ({
      %run_scoped3A = tpu.sem_alloc : memref<!tpu.dma_semaphore, #tpu.memory_space<semaphore_mem>>
      %dma_start3A = arith.constant 0 : i32
      %dma_start3A_15 = arith.constant 0 : i32
      %dma_start3A_16 = tpu.memref_slice %arg4[%add3A, %dma_start3A, %dma_start3A_15] : memref<32x40x128xi32, #tpu.memory_space<hbm>> -> memref<1x40x128xi32, #tpu.memory_space<hbm>>
      %dma_start3A_17 = tpu.memref_squeeze %dma_start3A_16 : memref<1x40x128xi32, #tpu.memory_space<hbm>> -> memref<40x128xi32, #tpu.memory_space<hbm>>
      %dma_start3A_18 = arith.constant 0 : i32
      %dma_start3A_19 = arith.constant 0 : i32
      %dma_start3A_20 = tpu.memref_slice %arg4[%add3A, %dma_start3A_18, %dma_start3A_19] : memref<32x40x128xi32, #tpu.memory_space<hbm>> -> memref<1x40x128xi32, #tpu.memory_space<hbm>>
      %dma_start3A_21 = tpu.memref_squeeze %dma_start3A_20 : memref<1x40x128xi32, #tpu.memory_space<hbm>> -> memref<40x128xi32, #tpu.memory_space<hbm>>
      tpu.enqueue_dma source(%dma_start3A_21 : memref<40x128xi32, #tpu.memory_space<hbm>>) target(%arg11 : memref<40x128xi32, #tpu.memory_space<vmem>>) target_semaphore(%run_scoped3A : memref<!tpu.dma_semaphore, #tpu.memory_space<semaphore_mem>>)
      %dma_wait3A = arith.constant 0 : i32
      %dma_wait3A_22 = arith.constant 0 : i32
      %dma_wait3A_23 = tpu.memref_slice %arg4[%add3A, %dma_wait3A, %dma_wait3A_22] : memref<32x40x128xi32, #tpu.memory_space<hbm>> -> memref<1x40x128xi32, #tpu.memory_space<hbm>>
      %dma_wait3A_24 = tpu.memref_squeeze %dma_wait3A_23 : memref<1x40x128xi32, #tpu.memory_space<hbm>> -> memref<40x128xi32, #tpu.memory_space<hbm>>
      %dma_wait3A_25 = arith.constant 0 : i32
      %dma_wait3A_26 = arith.constant 0 : i32
      %dma_wait3A_27 = tpu.memref_slice %arg4[%add3A, %dma_wait3A_25, %dma_wait3A_26] : memref<32x40x128xi32, #tpu.memory_space<hbm>> -> memref<1x40x128xi32, #tpu.memory_space<hbm>>
      %dma_wait3A_28 = tpu.memref_squeeze %dma_wait3A_27 : memref<1x40x128xi32, #tpu.memory_space<hbm>> -> memref<40x128xi32, #tpu.memory_space<hbm>>
      tpu.wait_dma2 semaphore(%run_scoped3A : memref<!tpu.dma_semaphore, #tpu.memory_space<semaphore_mem>>) src(%dma_wait3A_28 : memref<40x128xi32, #tpu.memory_space<hbm>>) dst(%arg11 : memref<40x128xi32, #tpu.memory_space<vmem>>)
      tpu.yield
    }) : () -> ()
    "tpu.region"() ({
      %run_scoped3A = tpu.sem_alloc : memref<!tpu.dma_semaphore, #tpu.memory_space<semaphore_mem>>
      %dma_start3A = arith.constant 0 : i32
      %dma_start3A_15 = arith.constant 0 : i32
      %dma_start3A_16 = tpu.memref_slice %arg5[%add3A, %dma_start3A, %dma_start3A_15] : memref<32x40x128xi32, #tpu.memory_space<hbm>> -> memref<1x40x128xi32, #tpu.memory_space<hbm>>
      %dma_start3A_17 = tpu.memref_squeeze %dma_start3A_16 : memref<1x40x128xi32, #tpu.memory_space<hbm>> -> memref<40x128xi32, #tpu.memory_space<hbm>>
      %dma_start3A_18 = arith.constant 0 : i32
      %dma_start3A_19 = arith.constant 0 : i32
      %dma_start3A_20 = tpu.memref_slice %arg5[%add3A, %dma_start3A_18, %dma_start3A_19] : memref<32x40x128xi32, #tpu.memory_space<hbm>> -> memref<1x40x128xi32, #tpu.memory_space<hbm>>
      %dma_start3A_21 = tpu.memref_squeeze %dma_start3A_20 : memref<1x40x128xi32, #tpu.memory_space<hbm>> -> memref<40x128xi32, #tpu.memory_space<hbm>>
      tpu.enqueue_dma source(%dma_start3A_21 : memref<40x128xi32, #tpu.memory_space<hbm>>) target(%arg12 : memref<40x128xi32, #tpu.memory_space<vmem>>) target_semaphore(%run_scoped3A : memref<!tpu.dma_semaphore, #tpu.memory_space<semaphore_mem>>)
      %dma_wait3A = arith.constant 0 : i32
      %dma_wait3A_22 = arith.constant 0 : i32
      %dma_wait3A_23 = tpu.memref_slice %arg5[%add3A, %dma_wait3A, %dma_wait3A_22] : memref<32x40x128xi32, #tpu.memory_space<hbm>> -> memref<1x40x128xi32, #tpu.memory_space<hbm>>
      %dma_wait3A_24 = tpu.memref_squeeze %dma_wait3A_23 : memref<1x40x128xi32, #tpu.memory_space<hbm>> -> memref<40x128xi32, #tpu.memory_space<hbm>>
      %dma_wait3A_25 = arith.constant 0 : i32
      %dma_wait3A_26 = arith.constant 0 : i32
      %dma_wait3A_27 = tpu.memref_slice %arg5[%add3A, %dma_wait3A_25, %dma_wait3A_26] : memref<32x40x128xi32, #tpu.memory_space<hbm>> -> memref<1x40x128xi32, #tpu.memory_space<hbm>>
      %dma_wait3A_28 = tpu.memref_squeeze %dma_wait3A_27 : memref<1x40x128xi32, #tpu.memory_space<hbm>> -> memref<40x128xi32, #tpu.memory_space<hbm>>
      tpu.wait_dma2 semaphore(%run_scoped3A : memref<!tpu.dma_semaphore, #tpu.memory_space<semaphore_mem>>) src(%dma_wait3A_28 : memref<40x128xi32, #tpu.memory_space<hbm>>) dst(%arg12 : memref<40x128xi32, #tpu.memory_space<vmem>>)
      tpu.yield
    }) : () -> ()
    "tpu.region"() ({
      %run_scoped3A = tpu.sem_alloc : memref<!tpu.dma_semaphore, #tpu.memory_space<semaphore_mem>>
      %dma_start3A = arith.constant 0 : i32
      %dma_start3A_15 = arith.constant 0 : i32
      %dma_start3A_16 = tpu.memref_slice %arg6[%add3A, %dma_start3A, %dma_start3A_15] : memref<32x40x128xf32, #tpu.memory_space<hbm>> -> memref<1x40x128xf32, #tpu.memory_space<hbm>>
      %dma_start3A_17 = tpu.memref_squeeze %dma_start3A_16 : memref<1x40x128xf32, #tpu.memory_space<hbm>> -> memref<40x128xf32, #tpu.memory_space<hbm>>
      %dma_start3A_18 = arith.constant 0 : i32
      %dma_start3A_19 = arith.constant 0 : i32
      %dma_start3A_20 = tpu.memref_slice %arg6[%add3A, %dma_start3A_18, %dma_start3A_19] : memref<32x40x128xf32, #tpu.memory_space<hbm>> -> memref<1x40x128xf32, #tpu.memory_space<hbm>>
      %dma_start3A_21 = tpu.memref_squeeze %dma_start3A_20 : memref<1x40x128xf32, #tpu.memory_space<hbm>> -> memref<40x128xf32, #tpu.memory_space<hbm>>
      tpu.enqueue_dma source(%dma_start3A_21 : memref<40x128xf32, #tpu.memory_space<hbm>>) target(%arg13 : memref<40x128xf32, #tpu.memory_space<vmem>>) target_semaphore(%run_scoped3A : memref<!tpu.dma_semaphore, #tpu.memory_space<semaphore_mem>>)
      %dma_wait3A = arith.constant 0 : i32
      %dma_wait3A_22 = arith.constant 0 : i32
      %dma_wait3A_23 = tpu.memref_slice %arg6[%add3A, %dma_wait3A, %dma_wait3A_22] : memref<32x40x128xf32, #tpu.memory_space<hbm>> -> memref<1x40x128xf32, #tpu.memory_space<hbm>>
      %dma_wait3A_24 = tpu.memref_squeeze %dma_wait3A_23 : memref<1x40x128xf32, #tpu.memory_space<hbm>> -> memref<40x128xf32, #tpu.memory_space<hbm>>
      %dma_wait3A_25 = arith.constant 0 : i32
      %dma_wait3A_26 = arith.constant 0 : i32
      %dma_wait3A_27 = tpu.memref_slice %arg6[%add3A, %dma_wait3A_25, %dma_wait3A_26] : memref<32x40x128xf32, #tpu.memory_space<hbm>> -> memref<1x40x128xf32, #tpu.memory_space<hbm>>
      %dma_wait3A_28 = tpu.memref_squeeze %dma_wait3A_27 : memref<1x40x128xf32, #tpu.memory_space<hbm>> -> memref<40x128xf32, #tpu.memory_space<hbm>>
      tpu.wait_dma2 semaphore(%run_scoped3A : memref<!tpu.dma_semaphore, #tpu.memory_space<semaphore_mem>>) src(%dma_wait3A_28 : memref<40x128xf32, #tpu.memory_space<hbm>>) dst(%arg13 : memref<40x128xf32, #tpu.memory_space<vmem>>)
      tpu.yield
    }) : () -> ()
    "tpu.region"() ({
      %run_scoped3A = tpu.sem_alloc : memref<!tpu.dma_semaphore, #tpu.memory_space<semaphore_mem>>
      %dma_start3A = arith.constant 0 : i32
      %dma_start3A_15 = arith.constant 0 : i32
      %dma_start3A_16 = tpu.memref_slice %arg7[%add3A, %dma_start3A, %dma_start3A_15] : memref<32x40x128xf32, #tpu.memory_space<hbm>> -> memref<1x40x128xf32, #tpu.memory_space<hbm>>
      %dma_start3A_17 = tpu.memref_squeeze %dma_start3A_16 : memref<1x40x128xf32, #tpu.memory_space<hbm>> -> memref<40x128xf32, #tpu.memory_space<hbm>>
      %dma_start3A_18 = arith.constant 0 : i32
      %dma_start3A_19 = arith.constant 0 : i32
      %dma_start3A_20 = tpu.memref_slice %arg7[%add3A, %dma_start3A_18, %dma_start3A_19] : memref<32x40x128xf32, #tpu.memory_space<hbm>> -> memref<1x40x128xf32, #tpu.memory_space<hbm>>
      %dma_start3A_21 = tpu.memref_squeeze %dma_start3A_20 : memref<1x40x128xf32, #tpu.memory_space<hbm>> -> memref<40x128xf32, #tpu.memory_space<hbm>>
      tpu.enqueue_dma source(%dma_start3A_21 : memref<40x128xf32, #tpu.memory_space<hbm>>) target(%arg14 : memref<40x128xf32, #tpu.memory_space<vmem>>) target_semaphore(%run_scoped3A : memref<!tpu.dma_semaphore, #tpu.memory_space<semaphore_mem>>)
      %dma_wait3A = arith.constant 0 : i32
      %dma_wait3A_22 = arith.constant 0 : i32
      %dma_wait3A_23 = tpu.memref_slice %arg7[%add3A, %dma_wait3A, %dma_wait3A_22] : memref<32x40x128xf32, #tpu.memory_space<hbm>> -> memref<1x40x128xf32, #tpu.memory_space<hbm>>
      %dma_wait3A_24 = tpu.memref_squeeze %dma_wait3A_23 : memref<1x40x128xf32, #tpu.memory_space<hbm>> -> memref<40x128xf32, #tpu.memory_space<hbm>>
      %dma_wait3A_25 = arith.constant 0 : i32
      %dma_wait3A_26 = arith.constant 0 : i32
      %dma_wait3A_27 = tpu.memref_slice %arg7[%add3A, %dma_wait3A_25, %dma_wait3A_26] : memref<32x40x128xf32, #tpu.memory_space<hbm>> -> memref<1x40x128xf32, #tpu.memory_space<hbm>>
      %dma_wait3A_28 = tpu.memref_squeeze %dma_wait3A_27 : memref<1x40x128xf32, #tpu.memory_space<hbm>> -> memref<40x128xf32, #tpu.memory_space<hbm>>
      tpu.wait_dma2 semaphore(%run_scoped3A : memref<!tpu.dma_semaphore, #tpu.memory_space<semaphore_mem>>) src(%dma_wait3A_28 : memref<40x128xf32, #tpu.memory_space<hbm>>) dst(%arg14 : memref<40x128xf32, #tpu.memory_space<vmem>>)
      tpu.yield
    }) : () -> ()
    "tpu.region"() ({
      %run_scoped3A = tpu.sem_alloc : memref<!tpu.dma_semaphore, #tpu.memory_space<semaphore_mem>>
      tpu.enqueue_dma source(%arg8 : memref<64xf32, #tpu.memory_space<hbm>>) target(%arg17 : memref<64xf32, #tpu.memory_space<vmem>>) target_semaphore(%run_scoped3A : memref<!tpu.dma_semaphore, #tpu.memory_space<semaphore_mem>>)
      tpu.wait_dma2 semaphore(%run_scoped3A : memref<!tpu.dma_semaphore, #tpu.memory_space<semaphore_mem>>) src(%arg8 : memref<64xf32, #tpu.memory_space<hbm>>) dst(%arg17 : memref<64xf32, #tpu.memory_space<vmem>>)
      tpu.yield
    }) : () -> ()
    %get3A = arith.constant 0 : index
    %get3A_1 = tpu.vector_load %arg17[%get3A] {strides = array<i32>} : memref<64xf32, #tpu.memory_space<vmem>>, vector<16xf32>,
    %get3A_2 = arith.constant 16 : index
    %get3A_3 = tpu.vector_load %arg17[%get3A_2] {strides = array<i32>} : memref<64xf32, #tpu.memory_space<vmem>>, vector<16xf32>,
    %get3A_4 = arith.constant 32 : index
    %get3A_5 = tpu.vector_load %arg17[%get3A_4] {strides = array<i32>} : memref<64xf32, #tpu.memory_space<vmem>>, vector<16xf32>,
    %get3A_6 = arith.constant 48 : index
    %get3A_7 = tpu.vector_load %arg17[%get3A_6] {strides = array<i32>} : memref<64xf32, #tpu.memory_space<vmem>>, vector<16xf32>,
    %iota3A = tpu.iota {dimensions = array<i32: 0>} : vector<16xi32>
    %broadcast_in_dim3A = arith.constant 0.000000e+00 : f32
    %broadcast_in_dim3A_8 = vector.broadcast %broadcast_in_dim3A : f32 to vector<16xf32>
    %scan3A = arith.constant 0 : i32
    %scan3A_9 = arith.constant 40 : i32
    %scan3A_10 = arith.addi %scan3A, %scan3A_9 : i32
    %scan3A_11 = arith.constant 1 : i32
    %scan3A_12 = scf.for %scan3A_15 = %scan3A to %scan3A_10 step %scan3A_11 iter_args(%scan3A_16 = %broadcast_in_dim3A_8) -> (vector<16xf32>)  : i32 {
      %dma_start3A = arith.constant 0 : i32
      %dma_start3A_17 = tpu.memref_slice %arg11[%scan3A_15, %dma_start3A] : memref<40x128xi32, #tpu.memory_space<vmem>> -> memref<1x128xi32, #tpu.memory_space<vmem>>
      %dma_start3A_18 = tpu.memref_squeeze %dma_start3A_17 : memref<1x128xi32, #tpu.memory_space<vmem>> -> memref<128xi32, #tpu.memory_space<vmem>>
      %dma_start3A_19 = arith.constant 0 : i32
      %dma_start3A_20 = arith.constant 0 : i32
      %dma_start3A_21 = tpu.memref_slice %arg2[%dma_start3A_19, %dma_start3A_20] : memref<10000x64xf32, #tpu.memory_space<hbm>> -> memref<10000x64xf32, #tpu.memory_space<hbm>>
      tpu.enqueue_indirect_dma source(%dma_start3A_21 : memref<10000x64xf32, #tpu.memory_space<hbm>>) target(%arg15 : memref<128x64xf32, #tpu.memory_space<vmem>>) offsets(%dma_start3A_18 : memref<128xi32, #tpu.memory_space<vmem>>) semaphore(%arg19 : memref<!tpu.dma_semaphore, #tpu.memory_space<semaphore_mem>>)
      %dma_wait3A = arith.constant 0 : i32
      %dma_wait3A_22 = tpu.memref_slice %arg11[%scan3A_15, %dma_wait3A] : memref<40x128xi32, #tpu.memory_space<vmem>> -> memref<1x128xi32, #tpu.memory_space<vmem>>
      %dma_wait3A_23 = tpu.memref_squeeze %dma_wait3A_22 : memref<1x128xi32, #tpu.memory_space<vmem>> -> memref<128xi32, #tpu.memory_space<vmem>>
      %dma_wait3A_24 = arith.constant 0 : i32
      %dma_wait3A_25 = arith.constant 0 : i32
      %dma_wait3A_26 = tpu.memref_slice %arg2[%dma_wait3A_24, %dma_wait3A_25] : memref<10000x64xf32, #tpu.memory_space<hbm>> -> memref<10000x64xf32, #tpu.memory_space<hbm>>
      tpu.wait_indirect_dma semaphore(%arg19 : memref<!tpu.dma_semaphore, #tpu.memory_space<semaphore_mem>>) src(%dma_wait3A_26 : memref<10000x64xf32, #tpu.memory_space<hbm>>) dst(%arg15 : memref<128x64xf32, #tpu.memory_space<vmem>>)
      %dma_start3A_27 = arith.constant 0 : i32
      %dma_start3A_28 = tpu.memref_slice %arg12[%scan3A_15, %dma_start3A_27] : memref<40x128xi32, #tpu.memory_space<vmem>> -> memref<1x128xi32, #tpu.memory_space<vmem>>
      %dma_start3A_29 = tpu.memref_squeeze %dma_start3A_28 : memref<1x128xi32, #tpu.memory_space<vmem>> -> memref<128xi32, #tpu.memory_space<vmem>>
      %dma_start3A_30 = arith.constant 0 : i32
      %dma_start3A_31 = arith.constant 0 : i32
      %dma_start3A_32 = tpu.memref_slice %arg3[%dma_start3A_30, %dma_start3A_31] : memref<10000x64xf32, #tpu.memory_space<hbm>> -> memref<10000x64xf32, #tpu.memory_space<hbm>>
      tpu.enqueue_indirect_dma source(%dma_start3A_32 : memref<10000x64xf32, #tpu.memory_space<hbm>>) target(%arg15 : memref<128x64xf32, #tpu.memory_space<vmem>>) offsets(%dma_start3A_29 : memref<128xi32, #tpu.memory_space<vmem>>) semaphore(%arg19 : memref<!tpu.dma_semaphore, #tpu.memory_space<semaphore_mem>>) {add = true}
      %dma_wait3A_33 = arith.constant 0 : i32
      %dma_wait3A_34 = tpu.memref_slice %arg12[%scan3A_15, %dma_wait3A_33] : memref<40x128xi32, #tpu.memory_space<vmem>> -> memref<1x128xi32, #tpu.memory_space<vmem>>
      %dma_wait3A_35 = tpu.memref_squeeze %dma_wait3A_34 : memref<1x128xi32, #tpu.memory_space<vmem>> -> memref<128xi32, #tpu.memory_space<vmem>>
      %dma_wait3A_36 = arith.constant 0 : i32
      %dma_wait3A_37 = arith.constant 0 : i32
      %dma_wait3A_38 = tpu.memref_slice %arg3[%dma_wait3A_36, %dma_wait3A_37] : memref<10000x64xf32, #tpu.memory_space<hbm>> -> memref<10000x64xf32, #tpu.memory_space<hbm>>
      tpu.wait_indirect_dma semaphore(%arg19 : memref<!tpu.dma_semaphore, #tpu.memory_space<semaphore_mem>>) src(%dma_wait3A_38 : memref<10000x64xf32, #tpu.memory_space<hbm>>) dst(%arg15 : memref<128x64xf32, #tpu.memory_space<vmem>>)
      %scan3A_39 = arith.constant 0 : i32
      %scan3A_40 = arith.constant 8 : i32
      %scan3A_41 = arith.addi %scan3A_39, %scan3A_40 : i32
      %scan3A_42 = arith.constant 1 : i32
      %scan3A_43 = scf.for %scan3A_45 = %scan3A_39 to %scan3A_41 step %scan3A_42 iter_args(%scan3A_46 = %scan3A_16) -> (vector<16xf32>)  : i32 {
        %mul3A_47 = arith.constant 16 : i32
        %mul3A_48 = arith.muli %scan3A_45, %mul3A_47 : i32
        %add3A_49 = vector.broadcast %mul3A_48 : i32 to vector<16xi32>
        %add3A_50 = arith.addi %iota3A, %add3A_49 : vector<16xi32>
        %broadcast_in_dim3A_51 = arith.constant 0.000000e+00 : f32
        %broadcast_in_dim3A_52 = vector.broadcast %broadcast_in_dim3A_51 : f32 to vector<16xf32>
        %broadcast_in_dim3A_53 = arith.constant 0 : i32
        %broadcast_in_dim3A_54 = vector.broadcast %broadcast_in_dim3A_53 : i32 to vector<16xi32>
        %gather3A = tpu.vector_load_idx %arg15[%add3A_50, %broadcast_in_dim3A_54] : memref<128x64xf32, #tpu.memory_space<vmem>>[vector<16xi32>, vector<16xi32>], vector<16xf32>,
        %slice3A = vector.extract_strided_slice %get3A_1 {offsets = [0], sizes = [1], strides = [1]} : vector<16xf32> to vector<1xf32>
        %squeeze3A = vector.extract %slice3A[0] : f32 from vector<1xf32>
        %max3A = arith.constant 0.000000e+00 : f32
        %max3A_55 = vector.broadcast %max3A : f32 to vector<16xf32>
        %max3A_56 = arith.maximumf %gather3A, %max3A_55 : vector<16xf32>
        %mul3A_57 = vector.broadcast %squeeze3A : f32 to vector<16xf32>
        %mul3A_58 = arith.mulf %max3A_56, %mul3A_57 : vector<16xf32>
        %add3A_59 = arith.addf %broadcast_in_dim3A_52, %mul3A_58 : vector<16xf32>
        %broadcast_in_dim3A_60 = arith.constant 1 : i32
        %broadcast_in_dim3A_61 = vector.broadcast %broadcast_in_dim3A_60 : i32 to vector<16xi32>
        %gather3A_62 = tpu.vector_load_idx %arg15[%add3A_50, %broadcast_in_dim3A_61] : memref<128x64xf32, #tpu.memory_space<vmem>>[vector<16xi32>, vector<16xi32>], vector<16xf32>,
        %slice3A_63 = vector.extract_strided_slice %get3A_1 {offsets = [1], sizes = [1], strides = [1]} : vector<16xf32> to vector<1xf32>
        %squeeze3A_64 = vector.extract %slice3A_63[0] : f32 from vector<1xf32>
        %max3A_65 = arith.constant 0.000000e+00 : f32
        %max3A_66 = vector.broadcast %max3A_65 : f32 to vector<16xf32>
        %max3A_67 = arith.maximumf %gather3A_62, %max3A_66 : vector<16xf32>
        %mul3A_68 = vector.broadcast %squeeze3A_64 : f32 to vector<16xf32>
        %mul3A_69 = arith.mulf %max3A_67, %mul3A_68 : vector<16xf32>
        %add3A_70 = arith.addf %add3A_59, %mul3A_69 : vector<16xf32>
        %broadcast_in_dim3A_71 = arith.constant 2 : i32
        %broadcast_in_dim3A_72 = vector.broadcast %broadcast_in_dim3A_71 : i32 to vector<16xi32>
        %gather3A_73 = tpu.vector_load_idx %arg15[%add3A_50, %broadcast_in_dim3A_72] : memref<128x64xf32, #tpu.memory_space<vmem>>[vector<16xi32>, vector<16xi32>], vector<16xf32>,
        %slice3A_74 = vector.extract_strided_slice %get3A_1 {offsets = [2], sizes = [1], strides = [1]} : vector<16xf32> to vector<1xf32>
        %squeeze3A_75 = vector.extract %slice3A_74[0] : f32 from vector<1xf32>
        %max3A_76 = arith.constant 0.000000e+00 : f32
        %max3A_77 = vector.broadcast %max3A_76 : f32 to vector<16xf32>
        %max3A_78 = arith.maximumf %gather3A_73, %max3A_77 : vector<16xf32>
        %mul3A_79 = vector.broadcast %squeeze3A_75 : f32 to vector<16xf32>
        %mul3A_80 = arith.mulf %max3A_78, %mul3A_79 : vector<16xf32>
        %add3A_81 = arith.addf %add3A_70, %mul3A_80 : vector<16xf32>
        %broadcast_in_dim3A_82 = arith.constant 3 : i32
        %broadcast_in_dim3A_83 = vector.broadcast %broadcast_in_dim3A_82 : i32 to vector<16xi32>
        %gather3A_84 = tpu.vector_load_idx %arg15[%add3A_50, %broadcast_in_dim3A_83] : memref<128x64xf32, #tpu.memory_space<vmem>>[vector<16xi32>, vector<16xi32>], vector<16xf32>,
        %slice3A_85 = vector.extract_strided_slice %get3A_1 {offsets = [3], sizes = [1], strides = [1]} : vector<16xf32> to vector<1xf32>
        %squeeze3A_86 = vector.extract %slice3A_85[0] : f32 from vector<1xf32>
        %max3A_87 = arith.constant 0.000000e+00 : f32
        %max3A_88 = vector.broadcast %max3A_87 : f32 to vector<16xf32>
        %max3A_89 = arith.maximumf %gather3A_84, %max3A_88 : vector<16xf32>
        %mul3A_90 = vector.broadcast %squeeze3A_86 : f32 to vector<16xf32>
        %mul3A_91 = arith.mulf %max3A_89, %mul3A_90 : vector<16xf32>
        %add3A_92 = arith.addf %add3A_81, %mul3A_91 : vector<16xf32>
        %broadcast_in_dim3A_93 = arith.constant 4 : i32
        %broadcast_in_dim3A_94 = vector.broadcast %broadcast_in_dim3A_93 : i32 to vector<16xi32>
        %gather3A_95 = tpu.vector_load_idx %arg15[%add3A_50, %broadcast_in_dim3A_94] : memref<128x64xf32, #tpu.memory_space<vmem>>[vector<16xi32>, vector<16xi32>], vector<16xf32>,
        %slice3A_96 = vector.extract_strided_slice %get3A_1 {offsets = [4], sizes = [1], strides = [1]} : vector<16xf32> to vector<1xf32>
        %squeeze3A_97 = vector.extract %slice3A_96[0] : f32 from vector<1xf32>
        %max3A_98 = arith.constant 0.000000e+00 : f32
        %max3A_99 = vector.broadcast %max3A_98 : f32 to vector<16xf32>
        %max3A_100 = arith.maximumf %gather3A_95, %max3A_99 : vector<16xf32>
        %mul3A_101 = vector.broadcast %squeeze3A_97 : f32 to vector<16xf32>
        %mul3A_102 = arith.mulf %max3A_100, %mul3A_101 : vector<16xf32>
        %add3A_103 = arith.addf %add3A_92, %mul3A_102 : vector<16xf32>
        %broadcast_in_dim3A_104 = arith.constant 5 : i32
        %broadcast_in_dim3A_105 = vector.broadcast %broadcast_in_dim3A_104 : i32 to vector<16xi32>
        %gather3A_106 = tpu.vector_load_idx %arg15[%add3A_50, %broadcast_in_dim3A_105] : memref<128x64xf32, #tpu.memory_space<vmem>>[vector<16xi32>, vector<16xi32>], vector<16xf32>,
        %slice3A_107 = vector.extract_strided_slice %get3A_1 {offsets = [5], sizes = [1], strides = [1]} : vector<16xf32> to vector<1xf32>
        %squeeze3A_108 = vector.extract %slice3A_107[0] : f32 from vector<1xf32>
        %max3A_109 = arith.constant 0.000000e+00 : f32
        %max3A_110 = vector.broadcast %max3A_109 : f32 to vector<16xf32>
        %max3A_111 = arith.maximumf %gather3A_106, %max3A_110 : vector<16xf32>
        %mul3A_112 = vector.broadcast %squeeze3A_108 : f32 to vector<16xf32>
        %mul3A_113 = arith.mulf %max3A_111, %mul3A_112 : vector<16xf32>
        %add3A_114 = arith.addf %add3A_103, %mul3A_113 : vector<16xf32>
        %broadcast_in_dim3A_115 = arith.constant 6 : i32
        %broadcast_in_dim3A_116 = vector.broadcast %broadcast_in_dim3A_115 : i32 to vector<16xi32>
        %gather3A_117 = tpu.vector_load_idx %arg15[%add3A_50, %broadcast_in_dim3A_116] : memref<128x64xf32, #tpu.memory_space<vmem>>[vector<16xi32>, vector<16xi32>], vector<16xf32>,
        %slice3A_118 = vector.extract_strided_slice %get3A_1 {offsets = [6], sizes = [1], strides = [1]} : vector<16xf32> to vector<1xf32>
        %squeeze3A_119 = vector.extract %slice3A_118[0] : f32 from vector<1xf32>
        %max3A_120 = arith.constant 0.000000e+00 : f32
        %max3A_121 = vector.broadcast %max3A_120 : f32 to vector<16xf32>
        %max3A_122 = arith.maximumf %gather3A_117, %max3A_121 : vector<16xf32>
        %mul3A_123 = vector.broadcast %squeeze3A_119 : f32 to vector<16xf32>
        %mul3A_124 = arith.mulf %max3A_122, %mul3A_123 : vector<16xf32>
        %add3A_125 = arith.addf %add3A_114, %mul3A_124 : vector<16xf32>
        %broadcast_in_dim3A_126 = arith.constant 7 : i32
        %broadcast_in_dim3A_127 = vector.broadcast %broadcast_in_dim3A_126 : i32 to vector<16xi32>
        %gather3A_128 = tpu.vector_load_idx %arg15[%add3A_50, %broadcast_in_dim3A_127] : memref<128x64xf32, #tpu.memory_space<vmem>>[vector<16xi32>, vector<16xi32>], vector<16xf32>,
        %slice3A_129 = vector.extract_strided_slice %get3A_1 {offsets = [7], sizes = [1], strides = [1]} : vector<16xf32> to vector<1xf32>
        %squeeze3A_130 = vector.extract %slice3A_129[0] : f32 from vector<1xf32>
        %max3A_131 = arith.constant 0.000000e+00 : f32
        %max3A_132 = vector.broadcast %max3A_131 : f32 to vector<16xf32>
        %max3A_133 = arith.maximumf %gather3A_128, %max3A_132 : vector<16xf32>
        %mul3A_134 = vector.broadcast %squeeze3A_130 : f32 to vector<16xf32>
        %mul3A_135 = arith.mulf %max3A_133, %mul3A_134 : vector<16xf32>
        %add3A_136 = arith.addf %add3A_125, %mul3A_135 : vector<16xf32>
        %broadcast_in_dim3A_137 = arith.constant 8 : i32
        %broadcast_in_dim3A_138 = vector.broadcast %broadcast_in_dim3A_137 : i32 to vector<16xi32>
        %gather3A_139 = tpu.vector_load_idx %arg15[%add3A_50, %broadcast_in_dim3A_138] : memref<128x64xf32, #tpu.memory_space<vmem>>[vector<16xi32>, vector<16xi32>], vector<16xf32>,
        %slice3A_140 = vector.extract_strided_slice %get3A_1 {offsets = [8], sizes = [1], strides = [1]} : vector<16xf32> to vector<1xf32>
        %squeeze3A_141 = vector.extract %slice3A_140[0] : f32 from vector<1xf32>
        %max3A_142 = arith.constant 0.000000e+00 : f32
        %max3A_143 = vector.broadcast %max3A_142 : f32 to vector<16xf32>
        %max3A_144 = arith.maximumf %gather3A_139, %max3A_143 : vector<16xf32>
        %mul3A_145 = vector.broadcast %squeeze3A_141 : f32 to vector<16xf32>
        %mul3A_146 = arith.mulf %max3A_144, %mul3A_145 : vector<16xf32>
        %add3A_147 = arith.addf %add3A_136, %mul3A_146 : vector<16xf32>
        %broadcast_in_dim3A_148 = arith.constant 9 : i32
        %broadcast_in_dim3A_149 = vector.broadcast %broadcast_in_dim3A_148 : i32 to vector<16xi32>
        %gather3A_150 = tpu.vector_load_idx %arg15[%add3A_50, %broadcast_in_dim3A_149] : memref<128x64xf32, #tpu.memory_space<vmem>>[vector<16xi32>, vector<16xi32>], vector<16xf32>,
        %slice3A_151 = vector.extract_strided_slice %get3A_1 {offsets = [9], sizes = [1], strides = [1]} : vector<16xf32> to vector<1xf32>
        %squeeze3A_152 = vector.extract %slice3A_151[0] : f32 from vector<1xf32>
        %max3A_153 = arith.constant 0.000000e+00 : f32
        %max3A_154 = vector.broadcast %max3A_153 : f32 to vector<16xf32>
        %max3A_155 = arith.maximumf %gather3A_150, %max3A_154 : vector<16xf32>
        %mul3A_156 = vector.broadcast %squeeze3A_152 : f32 to vector<16xf32>
        %mul3A_157 = arith.mulf %max3A_155, %mul3A_156 : vector<16xf32>
        %add3A_158 = arith.addf %add3A_147, %mul3A_157 : vector<16xf32>
        %broadcast_in_dim3A_159 = arith.constant 10 : i32
        %broadcast_in_dim3A_160 = vector.broadcast %broadcast_in_dim3A_159 : i32 to vector<16xi32>
        %gather3A_161 = tpu.vector_load_idx %arg15[%add3A_50, %broadcast_in_dim3A_160] : memref<128x64xf32, #tpu.memory_space<vmem>>[vector<16xi32>, vector<16xi32>], vector<16xf32>,
        %slice3A_162 = vector.extract_strided_slice %get3A_1 {offsets = [10], sizes = [1], strides = [1]} : vector<16xf32> to vector<1xf32>
        %squeeze3A_163 = vector.extract %slice3A_162[0] : f32 from vector<1xf32>
        %max3A_164 = arith.constant 0.000000e+00 : f32
        %max3A_165 = vector.broadcast %max3A_164 : f32 to vector<16xf32>
        %max3A_166 = arith.maximumf %gather3A_161, %max3A_165 : vector<16xf32>
        %mul3A_167 = vector.broadcast %squeeze3A_163 : f32 to vector<16xf32>
        %mul3A_168 = arith.mulf %max3A_166, %mul3A_167 : vector<16xf32>
        %add3A_169 = arith.addf %add3A_158, %mul3A_168 : vector<16xf32>
        %broadcast_in_dim3A_170 = arith.constant 11 : i32
        %broadcast_in_dim3A_171 = vector.broadcast %broadcast_in_dim3A_170 : i32 to vector<16xi32>
        %gather3A_172 = tpu.vector_load_idx %arg15[%add3A_50, %broadcast_in_dim3A_171] : memref<128x64xf32, #tpu.memory_space<vmem>>[vector<16xi32>, vector<16xi32>], vector<16xf32>,
        %slice3A_173 = vector.extract_strided_slice %get3A_1 {offsets = [11], sizes = [1], strides = [1]} : vector<16xf32> to vector<1xf32>
        %squeeze3A_174 = vector.extract %slice3A_173[0] : f32 from vector<1xf32>
        %max3A_175 = arith.constant 0.000000e+00 : f32
        %max3A_176 = vector.broadcast %max3A_175 : f32 to vector<16xf32>
        %max3A_177 = arith.maximumf %gather3A_172, %max3A_176 : vector<16xf32>
        %mul3A_178 = vector.broadcast %squeeze3A_174 : f32 to vector<16xf32>
        %mul3A_179 = arith.mulf %max3A_177, %mul3A_178 : vector<16xf32>
        %add3A_180 = arith.addf %add3A_169, %mul3A_179 : vector<16xf32>
        %broadcast_in_dim3A_181 = arith.constant 12 : i32
        %broadcast_in_dim3A_182 = vector.broadcast %broadcast_in_dim3A_181 : i32 to vector<16xi32>
        %gather3A_183 = tpu.vector_load_idx %arg15[%add3A_50, %broadcast_in_dim3A_182] : memref<128x64xf32, #tpu.memory_space<vmem>>[vector<16xi32>, vector<16xi32>], vector<16xf32>,
        %slice3A_184 = vector.extract_strided_slice %get3A_1 {offsets = [12], sizes = [1], strides = [1]} : vector<16xf32> to vector<1xf32>
        %squeeze3A_185 = vector.extract %slice3A_184[0] : f32 from vector<1xf32>
        %max3A_186 = arith.constant 0.000000e+00 : f32
        %max3A_187 = vector.broadcast %max3A_186 : f32 to vector<16xf32>
        %max3A_188 = arith.maximumf %gather3A_183, %max3A_187 : vector<16xf32>
        %mul3A_189 = vector.broadcast %squeeze3A_185 : f32 to vector<16xf32>
        %mul3A_190 = arith.mulf %max3A_188, %mul3A_189 : vector<16xf32>
        %add3A_191 = arith.addf %add3A_180, %mul3A_190 : vector<16xf32>
        %broadcast_in_dim3A_192 = arith.constant 13 : i32
        %broadcast_in_dim3A_193 = vector.broadcast %broadcast_in_dim3A_192 : i32 to vector<16xi32>
        %gather3A_194 = tpu.vector_load_idx %arg15[%add3A_50, %broadcast_in_dim3A_193] : memref<128x64xf32, #tpu.memory_space<vmem>>[vector<16xi32>, vector<16xi32>], vector<16xf32>,
        %slice3A_195 = vector.extract_strided_slice %get3A_1 {offsets = [13], sizes = [1], strides = [1]} : vector<16xf32> to vector<1xf32>
        %squeeze3A_196 = vector.extract %slice3A_195[0] : f32 from vector<1xf32>
        %max3A_197 = arith.constant 0.000000e+00 : f32
        %max3A_198 = vector.broadcast %max3A_197 : f32 to vector<16xf32>
        %max3A_199 = arith.maximumf %gather3A_194, %max3A_198 : vector<16xf32>
        %mul3A_200 = vector.broadcast %squeeze3A_196 : f32 to vector<16xf32>
        %mul3A_201 = arith.mulf %max3A_199, %mul3A_200 : vector<16xf32>
        %add3A_202 = arith.addf %add3A_191, %mul3A_201 : vector<16xf32>
        %broadcast_in_dim3A_203 = arith.constant 14 : i32
        %broadcast_in_dim3A_204 = vector.broadcast %broadcast_in_dim3A_203 : i32 to vector<16xi32>
        %gather3A_205 = tpu.vector_load_idx %arg15[%add3A_50, %broadcast_in_dim3A_204] : memref<128x64xf32, #tpu.memory_space<vmem>>[vector<16xi32>, vector<16xi32>], vector<16xf32>,
        %slice3A_206 = vector.extract_strided_slice %get3A_1 {offsets = [14], sizes = [1], strides = [1]} : vector<16xf32> to vector<1xf32>
        %squeeze3A_207 = vector.extract %slice3A_206[0] : f32 from vector<1xf32>
        %max3A_208 = arith.constant 0.000000e+00 : f32
        %max3A_209 = vector.broadcast %max3A_208 : f32 to vector<16xf32>
        %max3A_210 = arith.maximumf %gather3A_205, %max3A_209 : vector<16xf32>
        %mul3A_211 = vector.broadcast %squeeze3A_207 : f32 to vector<16xf32>
        %mul3A_212 = arith.mulf %max3A_210, %mul3A_211 : vector<16xf32>
        %add3A_213 = arith.addf %add3A_202, %mul3A_212 : vector<16xf32>
        %broadcast_in_dim3A_214 = arith.constant 15 : i32
        %broadcast_in_dim3A_215 = vector.broadcast %broadcast_in_dim3A_214 : i32 to vector<16xi32>
        %gather3A_216 = tpu.vector_load_idx %arg15[%add3A_50, %broadcast_in_dim3A_215] : memref<128x64xf32, #tpu.memory_space<vmem>>[vector<16xi32>, vector<16xi32>], vector<16xf32>,
        %slice3A_217 = vector.extract_strided_slice %get3A_1 {offsets = [15], sizes = [1], strides = [1]} : vector<16xf32> to vector<1xf32>
        %squeeze3A_218 = vector.extract %slice3A_217[0] : f32 from vector<1xf32>
        %max3A_219 = arith.constant 0.000000e+00 : f32
        %max3A_220 = vector.broadcast %max3A_219 : f32 to vector<16xf32>
        %max3A_221 = arith.maximumf %gather3A_216, %max3A_220 : vector<16xf32>
        %mul3A_222 = vector.broadcast %squeeze3A_218 : f32 to vector<16xf32>
        %mul3A_223 = arith.mulf %max3A_221, %mul3A_222 : vector<16xf32>
        %add3A_224 = arith.addf %add3A_213, %mul3A_223 : vector<16xf32>
        %broadcast_in_dim3A_225 = arith.constant 16 : i32
        %broadcast_in_dim3A_226 = vector.broadcast %broadcast_in_dim3A_225 : i32 to vector<16xi32>
        %gather3A_227 = tpu.vector_load_idx %arg15[%add3A_50, %broadcast_in_dim3A_226] : memref<128x64xf32, #tpu.memory_space<vmem>>[vector<16xi32>, vector<16xi32>], vector<16xf32>,
        %slice3A_228 = vector.extract_strided_slice %get3A_3 {offsets = [0], sizes = [1], strides = [1]} : vector<16xf32> to vector<1xf32>
        %squeeze3A_229 = vector.extract %slice3A_228[0] : f32 from vector<1xf32>
        %max3A_230 = arith.constant 0.000000e+00 : f32
        %max3A_231 = vector.broadcast %max3A_230 : f32 to vector<16xf32>
        %max3A_232 = arith.maximumf %gather3A_227, %max3A_231 : vector<16xf32>
        %mul3A_233 = vector.broadcast %squeeze3A_229 : f32 to vector<16xf32>
        %mul3A_234 = arith.mulf %max3A_232, %mul3A_233 : vector<16xf32>
        %add3A_235 = arith.addf %add3A_224, %mul3A_234 : vector<16xf32>
        %broadcast_in_dim3A_236 = arith.constant 17 : i32
        %broadcast_in_dim3A_237 = vector.broadcast %broadcast_in_dim3A_236 : i32 to vector<16xi32>
        %gather3A_238 = tpu.vector_load_idx %arg15[%add3A_50, %broadcast_in_dim3A_237] : memref<128x64xf32, #tpu.memory_space<vmem>>[vector<16xi32>, vector<16xi32>], vector<16xf32>,
        %slice3A_239 = vector.extract_strided_slice %get3A_3 {offsets = [1], sizes = [1], strides = [1]} : vector<16xf32> to vector<1xf32>
        %squeeze3A_240 = vector.extract %slice3A_239[0] : f32 from vector<1xf32>
        %max3A_241 = arith.constant 0.000000e+00 : f32
        %max3A_242 = vector.broadcast %max3A_241 : f32 to vector<16xf32>
        %max3A_243 = arith.maximumf %gather3A_238, %max3A_242 : vector<16xf32>
        %mul3A_244 = vector.broadcast %squeeze3A_240 : f32 to vector<16xf32>
        %mul3A_245 = arith.mulf %max3A_243, %mul3A_244 : vector<16xf32>
        %add3A_246 = arith.addf %add3A_235, %mul3A_245 : vector<16xf32>
        %broadcast_in_dim3A_247 = arith.constant 18 : i32
        %broadcast_in_dim3A_248 = vector.broadcast %broadcast_in_dim3A_247 : i32 to vector<16xi32>
        %gather3A_249 = tpu.vector_load_idx %arg15[%add3A_50, %broadcast_in_dim3A_248] : memref<128x64xf32, #tpu.memory_space<vmem>>[vector<16xi32>, vector<16xi32>], vector<16xf32>,
        %slice3A_250 = vector.extract_strided_slice %get3A_3 {offsets = [2], sizes = [1], strides = [1]} : vector<16xf32> to vector<1xf32>
        %squeeze3A_251 = vector.extract %slice3A_250[0] : f32 from vector<1xf32>
        %max3A_252 = arith.constant 0.000000e+00 : f32
        %max3A_253 = vector.broadcast %max3A_252 : f32 to vector<16xf32>
        %max3A_254 = arith.maximumf %gather3A_249, %max3A_253 : vector<16xf32>
        %mul3A_255 = vector.broadcast %squeeze3A_251 : f32 to vector<16xf32>
        %mul3A_256 = arith.mulf %max3A_254, %mul3A_255 : vector<16xf32>
        %add3A_257 = arith.addf %add3A_246, %mul3A_256 : vector<16xf32>
        %broadcast_in_dim3A_258 = arith.constant 19 : i32
        %broadcast_in_dim3A_259 = vector.broadcast %broadcast_in_dim3A_258 : i32 to vector<16xi32>
        %gather3A_260 = tpu.vector_load_idx %arg15[%add3A_50, %broadcast_in_dim3A_259] : memref<128x64xf32, #tpu.memory_space<vmem>>[vector<16xi32>, vector<16xi32>], vector<16xf32>,
        %slice3A_261 = vector.extract_strided_slice %get3A_3 {offsets = [3], sizes = [1], strides = [1]} : vector<16xf32> to vector<1xf32>
        %squeeze3A_262 = vector.extract %slice3A_261[0] : f32 from vector<1xf32>
        %max3A_263 = arith.constant 0.000000e+00 : f32
        %max3A_264 = vector.broadcast %max3A_263 : f32 to vector<16xf32>
        %max3A_265 = arith.maximumf %gather3A_260, %max3A_264 : vector<16xf32>
        %mul3A_266 = vector.broadcast %squeeze3A_262 : f32 to vector<16xf32>
        %mul3A_267 = arith.mulf %max3A_265, %mul3A_266 : vector<16xf32>
        %add3A_268 = arith.addf %add3A_257, %mul3A_267 : vector<16xf32>
        %broadcast_in_dim3A_269 = arith.constant 20 : i32
        %broadcast_in_dim3A_270 = vector.broadcast %broadcast_in_dim3A_269 : i32 to vector<16xi32>
        %gather3A_271 = tpu.vector_load_idx %arg15[%add3A_50, %broadcast_in_dim3A_270] : memref<128x64xf32, #tpu.memory_space<vmem>>[vector<16xi32>, vector<16xi32>], vector<16xf32>,
        %slice3A_272 = vector.extract_strided_slice %get3A_3 {offsets = [4], sizes = [1], strides = [1]} : vector<16xf32> to vector<1xf32>
        %squeeze3A_273 = vector.extract %slice3A_272[0] : f32 from vector<1xf32>
        %max3A_274 = arith.constant 0.000000e+00 : f32
        %max3A_275 = vector.broadcast %max3A_274 : f32 to vector<16xf32>
        %max3A_276 = arith.maximumf %gather3A_271, %max3A_275 : vector<16xf32>
        %mul3A_277 = vector.broadcast %squeeze3A_273 : f32 to vector<16xf32>
        %mul3A_278 = arith.mulf %max3A_276, %mul3A_277 : vector<16xf32>
        %add3A_279 = arith.addf %add3A_268, %mul3A_278 : vector<16xf32>
        %broadcast_in_dim3A_280 = arith.constant 21 : i32
        %broadcast_in_dim3A_281 = vector.broadcast %broadcast_in_dim3A_280 : i32 to vector<16xi32>
        %gather3A_282 = tpu.vector_load_idx %arg15[%add3A_50, %broadcast_in_dim3A_281] : memref<128x64xf32, #tpu.memory_space<vmem>>[vector<16xi32>, vector<16xi32>], vector<16xf32>,
        %slice3A_283 = vector.extract_strided_slice %get3A_3 {offsets = [5], sizes = [1], strides = [1]} : vector<16xf32> to vector<1xf32>
        %squeeze3A_284 = vector.extract %slice3A_283[0] : f32 from vector<1xf32>
        %max3A_285 = arith.constant 0.000000e+00 : f32
        %max3A_286 = vector.broadcast %max3A_285 : f32 to vector<16xf32>
        %max3A_287 = arith.maximumf %gather3A_282, %max3A_286 : vector<16xf32>
        %mul3A_288 = vector.broadcast %squeeze3A_284 : f32 to vector<16xf32>
        %mul3A_289 = arith.mulf %max3A_287, %mul3A_288 : vector<16xf32>
        %add3A_290 = arith.addf %add3A_279, %mul3A_289 : vector<16xf32>
        %broadcast_in_dim3A_291 = arith.constant 22 : i32
        %broadcast_in_dim3A_292 = vector.broadcast %broadcast_in_dim3A_291 : i32 to vector<16xi32>
        %gather3A_293 = tpu.vector_load_idx %arg15[%add3A_50, %broadcast_in_dim3A_292] : memref<128x64xf32, #tpu.memory_space<vmem>>[vector<16xi32>, vector<16xi32>], vector<16xf32>,
        %slice3A_294 = vector.extract_strided_slice %get3A_3 {offsets = [6], sizes = [1], strides = [1]} : vector<16xf32> to vector<1xf32>
        %squeeze3A_295 = vector.extract %slice3A_294[0] : f32 from vector<1xf32>
        %max3A_296 = arith.constant 0.000000e+00 : f32
        %max3A_297 = vector.broadcast %max3A_296 : f32 to vector<16xf32>
        %max3A_298 = arith.maximumf %gather3A_293, %max3A_297 : vector<16xf32>
        %mul3A_299 = vector.broadcast %squeeze3A_295 : f32 to vector<16xf32>
        %mul3A_300 = arith.mulf %max3A_298, %mul3A_299 : vector<16xf32>
        %add3A_301 = arith.addf %add3A_290, %mul3A_300 : vector<16xf32>
        %broadcast_in_dim3A_302 = arith.constant 23 : i32
        %broadcast_in_dim3A_303 = vector.broadcast %broadcast_in_dim3A_302 : i32 to vector<16xi32>
        %gather3A_304 = tpu.vector_load_idx %arg15[%add3A_50, %broadcast_in_dim3A_303] : memref<128x64xf32, #tpu.memory_space<vmem>>[vector<16xi32>, vector<16xi32>], vector<16xf32>,
        %slice3A_305 = vector.extract_strided_slice %get3A_3 {offsets = [7], sizes = [1], strides = [1]} : vector<16xf32> to vector<1xf32>
        %squeeze3A_306 = vector.extract %slice3A_305[0] : f32 from vector<1xf32>
        %max3A_307 = arith.constant 0.000000e+00 : f32
        %max3A_308 = vector.broadcast %max3A_307 : f32 to vector<16xf32>
        %max3A_309 = arith.maximumf %gather3A_304, %max3A_308 : vector<16xf32>
        %mul3A_310 = vector.broadcast %squeeze3A_306 : f32 to vector<16xf32>
        %mul3A_311 = arith.mulf %max3A_309, %mul3A_310 : vector<16xf32>
        %add3A_312 = arith.addf %add3A_301, %mul3A_311 : vector<16xf32>
        %broadcast_in_dim3A_313 = arith.constant 24 : i32
        %broadcast_in_dim3A_314 = vector.broadcast %broadcast_in_dim3A_313 : i32 to vector<16xi32>
        %gather3A_315 = tpu.vector_load_idx %arg15[%add3A_50, %broadcast_in_dim3A_314] : memref<128x64xf32, #tpu.memory_space<vmem>>[vector<16xi32>, vector<16xi32>], vector<16xf32>,
        %slice3A_316 = vector.extract_strided_slice %get3A_3 {offsets = [8], sizes = [1], strides = [1]} : vector<16xf32> to vector<1xf32>
        %squeeze3A_317 = vector.extract %slice3A_316[0] : f32 from vector<1xf32>
        %max3A_318 = arith.constant 0.000000e+00 : f32
        %max3A_319 = vector.broadcast %max3A_318 : f32 to vector<16xf32>
        %max3A_320 = arith.maximumf %gather3A_315, %max3A_319 : vector<16xf32>
        %mul3A_321 = vector.broadcast %squeeze3A_317 : f32 to vector<16xf32>
        %mul3A_322 = arith.mulf %max3A_320, %mul3A_321 : vector<16xf32>
        %add3A_323 = arith.addf %add3A_312, %mul3A_322 : vector<16xf32>
        %broadcast_in_dim3A_324 = arith.constant 25 : i32
        %broadcast_in_dim3A_325 = vector.broadcast %broadcast_in_dim3A_324 : i32 to vector<16xi32>
        %gather3A_326 = tpu.vector_load_idx %arg15[%add3A_50, %broadcast_in_dim3A_325] : memref<128x64xf32, #tpu.memory_space<vmem>>[vector<16xi32>, vector<16xi32>], vector<16xf32>,
        %slice3A_327 = vector.extract_strided_slice %get3A_3 {offsets = [9], sizes = [1], strides = [1]} : vector<16xf32> to vector<1xf32>
        %squeeze3A_328 = vector.extract %slice3A_327[0] : f32 from vector<1xf32>
        %max3A_329 = arith.constant 0.000000e+00 : f32
        %max3A_330 = vector.broadcast %max3A_329 : f32 to vector<16xf32>
        %max3A_331 = arith.maximumf %gather3A_326, %max3A_330 : vector<16xf32>
        %mul3A_332 = vector.broadcast %squeeze3A_328 : f32 to vector<16xf32>
        %mul3A_333 = arith.mulf %max3A_331, %mul3A_332 : vector<16xf32>
        %add3A_334 = arith.addf %add3A_323, %mul3A_333 : vector<16xf32>
        %broadcast_in_dim3A_335 = arith.constant 26 : i32
        %broadcast_in_dim3A_336 = vector.broadcast %broadcast_in_dim3A_335 : i32 to vector<16xi32>
        %gather3A_337 = tpu.vector_load_idx %arg15[%add3A_50, %broadcast_in_dim3A_336] : memref<128x64xf32, #tpu.memory_space<vmem>>[vector<16xi32>, vector<16xi32>], vector<16xf32>,
        %slice3A_338 = vector.extract_strided_slice %get3A_3 {offsets = [10], sizes = [1], strides = [1]} : vector<16xf32> to vector<1xf32>
        %squeeze3A_339 = vector.extract %slice3A_338[0] : f32 from vector<1xf32>
        %max3A_340 = arith.constant 0.000000e+00 : f32
        %max3A_341 = vector.broadcast %max3A_340 : f32 to vector<16xf32>
        %max3A_342 = arith.maximumf %gather3A_337, %max3A_341 : vector<16xf32>
        %mul3A_343 = vector.broadcast %squeeze3A_339 : f32 to vector<16xf32>
        %mul3A_344 = arith.mulf %max3A_342, %mul3A_343 : vector<16xf32>
        %add3A_345 = arith.addf %add3A_334, %mul3A_344 : vector<16xf32>
        %broadcast_in_dim3A_346 = arith.constant 27 : i32
        %broadcast_in_dim3A_347 = vector.broadcast %broadcast_in_dim3A_346 : i32 to vector<16xi32>
        %gather3A_348 = tpu.vector_load_idx %arg15[%add3A_50, %broadcast_in_dim3A_347] : memref<128x64xf32, #tpu.memory_space<vmem>>[vector<16xi32>, vector<16xi32>], vector<16xf32>,
        %slice3A_349 = vector.extract_strided_slice %get3A_3 {offsets = [11], sizes = [1], strides = [1]} : vector<16xf32> to vector<1xf32>
        %squeeze3A_350 = vector.extract %slice3A_349[0] : f32 from vector<1xf32>
        %max3A_351 = arith.constant 0.000000e+00 : f32
        %max3A_352 = vector.broadcast %max3A_351 : f32 to vector<16xf32>
        %max3A_353 = arith.maximumf %gather3A_348, %max3A_352 : vector<16xf32>
        %mul3A_354 = vector.broadcast %squeeze3A_350 : f32 to vector<16xf32>
        %mul3A_355 = arith.mulf %max3A_353, %mul3A_354 : vector<16xf32>
        %add3A_356 = arith.addf %add3A_345, %mul3A_355 : vector<16xf32>
        %broadcast_in_dim3A_357 = arith.constant 28 : i32
        %broadcast_in_dim3A_358 = vector.broadcast %broadcast_in_dim3A_357 : i32 to vector<16xi32>
        %gather3A_359 = tpu.vector_load_idx %arg15[%add3A_50, %broadcast_in_dim3A_358] : memref<128x64xf32, #tpu.memory_space<vmem>>[vector<16xi32>, vector<16xi32>], vector<16xf32>,
        %slice3A_360 = vector.extract_strided_slice %get3A_3 {offsets = [12], sizes = [1], strides = [1]} : vector<16xf32> to vector<1xf32>
        %squeeze3A_361 = vector.extract %slice3A_360[0] : f32 from vector<1xf32>
        %max3A_362 = arith.constant 0.000000e+00 : f32
        %max3A_363 = vector.broadcast %max3A_362 : f32 to vector<16xf32>
        %max3A_364 = arith.maximumf %gather3A_359, %max3A_363 : vector<16xf32>
        %mul3A_365 = vector.broadcast %squeeze3A_361 : f32 to vector<16xf32>
        %mul3A_366 = arith.mulf %max3A_364, %mul3A_365 : vector<16xf32>
        %add3A_367 = arith.addf %add3A_356, %mul3A_366 : vector<16xf32>
        %broadcast_in_dim3A_368 = arith.constant 29 : i32
        %broadcast_in_dim3A_369 = vector.broadcast %broadcast_in_dim3A_368 : i32 to vector<16xi32>
        %gather3A_370 = tpu.vector_load_idx %arg15[%add3A_50, %broadcast_in_dim3A_369] : memref<128x64xf32, #tpu.memory_space<vmem>>[vector<16xi32>, vector<16xi32>], vector<16xf32>,
        %slice3A_371 = vector.extract_strided_slice %get3A_3 {offsets = [13], sizes = [1], strides = [1]} : vector<16xf32> to vector<1xf32>
        %squeeze3A_372 = vector.extract %slice3A_371[0] : f32 from vector<1xf32>
        %max3A_373 = arith.constant 0.000000e+00 : f32
        %max3A_374 = vector.broadcast %max3A_373 : f32 to vector<16xf32>
        %max3A_375 = arith.maximumf %gather3A_370, %max3A_374 : vector<16xf32>
        %mul3A_376 = vector.broadcast %squeeze3A_372 : f32 to vector<16xf32>
        %mul3A_377 = arith.mulf %max3A_375, %mul3A_376 : vector<16xf32>
        %add3A_378 = arith.addf %add3A_367, %mul3A_377 : vector<16xf32>
        %broadcast_in_dim3A_379 = arith.constant 30 : i32
        %broadcast_in_dim3A_380 = vector.broadcast %broadcast_in_dim3A_379 : i32 to vector<16xi32>
        %gather3A_381 = tpu.vector_load_idx %arg15[%add3A_50, %broadcast_in_dim3A_380] : memref<128x64xf32, #tpu.memory_space<vmem>>[vector<16xi32>, vector<16xi32>], vector<16xf32>,
        %slice3A_382 = vector.extract_strided_slice %get3A_3 {offsets = [14], sizes = [1], strides = [1]} : vector<16xf32> to vector<1xf32>
        %squeeze3A_383 = vector.extract %slice3A_382[0] : f32 from vector<1xf32>
        %max3A_384 = arith.constant 0.000000e+00 : f32
        %max3A_385 = vector.broadcast %max3A_384 : f32 to vector<16xf32>
        %max3A_386 = arith.maximumf %gather3A_381, %max3A_385 : vector<16xf32>
        %mul3A_387 = vector.broadcast %squeeze3A_383 : f32 to vector<16xf32>
        %mul3A_388 = arith.mulf %max3A_386, %mul3A_387 : vector<16xf32>
        %add3A_389 = arith.addf %add3A_378, %mul3A_388 : vector<16xf32>
        %broadcast_in_dim3A_390 = arith.constant 31 : i32
        %broadcast_in_dim3A_391 = vector.broadcast %broadcast_in_dim3A_390 : i32 to vector<16xi32>
        %gather3A_392 = tpu.vector_load_idx %arg15[%add3A_50, %broadcast_in_dim3A_391] : memref<128x64xf32, #tpu.memory_space<vmem>>[vector<16xi32>, vector<16xi32>], vector<16xf32>,
        %slice3A_393 = vector.extract_strided_slice %get3A_3 {offsets = [15], sizes = [1], strides = [1]} : vector<16xf32> to vector<1xf32>
        %squeeze3A_394 = vector.extract %slice3A_393[0] : f32 from vector<1xf32>
        %max3A_395 = arith.constant 0.000000e+00 : f32
        %max3A_396 = vector.broadcast %max3A_395 : f32 to vector<16xf32>
        %max3A_397 = arith.maximumf %gather3A_392, %max3A_396 : vector<16xf32>
        %mul3A_398 = vector.broadcast %squeeze3A_394 : f32 to vector<16xf32>
        %mul3A_399 = arith.mulf %max3A_397, %mul3A_398 : vector<16xf32>
        %add3A_400 = arith.addf %add3A_389, %mul3A_399 : vector<16xf32>
        %broadcast_in_dim3A_401 = arith.constant 32 : i32
        %broadcast_in_dim3A_402 = vector.broadcast %broadcast_in_dim3A_401 : i32 to vector<16xi32>
        %gather3A_403 = tpu.vector_load_idx %arg15[%add3A_50, %broadcast_in_dim3A_402] : memref<128x64xf32, #tpu.memory_space<vmem>>[vector<16xi32>, vector<16xi32>], vector<16xf32>,
        %slice3A_404 = vector.extract_strided_slice %get3A_5 {offsets = [0], sizes = [1], strides = [1]} : vector<16xf32> to vector<1xf32>
        %squeeze3A_405 = vector.extract %slice3A_404[0] : f32 from vector<1xf32>
        %max3A_406 = arith.constant 0.000000e+00 : f32
        %max3A_407 = vector.broadcast %max3A_406 : f32 to vector<16xf32>
        %max3A_408 = arith.maximumf %gather3A_403, %max3A_407 : vector<16xf32>
        %mul3A_409 = vector.broadcast %squeeze3A_405 : f32 to vector<16xf32>
        %mul3A_410 = arith.mulf %max3A_408, %mul3A_409 : vector<16xf32>
        %add3A_411 = arith.addf %add3A_400, %mul3A_410 : vector<16xf32>
        %broadcast_in_dim3A_412 = arith.constant 33 : i32
        %broadcast_in_dim3A_413 = vector.broadcast %broadcast_in_dim3A_412 : i32 to vector<16xi32>
        %gather3A_414 = tpu.vector_load_idx %arg15[%add3A_50, %broadcast_in_dim3A_413] : memref<128x64xf32, #tpu.memory_space<vmem>>[vector<16xi32>, vector<16xi32>], vector<16xf32>,
        %slice3A_415 = vector.extract_strided_slice %get3A_5 {offsets = [1], sizes = [1], strides = [1]} : vector<16xf32> to vector<1xf32>
        %squeeze3A_416 = vector.extract %slice3A_415[0] : f32 from vector<1xf32>
        %max3A_417 = arith.constant 0.000000e+00 : f32
        %max3A_418 = vector.broadcast %max3A_417 : f32 to vector<16xf32>
        %max3A_419 = arith.maximumf %gather3A_414, %max3A_418 : vector<16xf32>
        %mul3A_420 = vector.broadcast %squeeze3A_416 : f32 to vector<16xf32>
        %mul3A_421 = arith.mulf %max3A_419, %mul3A_420 : vector<16xf32>
        %add3A_422 = arith.addf %add3A_411, %mul3A_421 : vector<16xf32>
        %broadcast_in_dim3A_423 = arith.constant 34 : i32
        %broadcast_in_dim3A_424 = vector.broadcast %broadcast_in_dim3A_423 : i32 to vector<16xi32>
        %gather3A_425 = tpu.vector_load_idx %arg15[%add3A_50, %broadcast_in_dim3A_424] : memref<128x64xf32, #tpu.memory_space<vmem>>[vector<16xi32>, vector<16xi32>], vector<16xf32>,
        %slice3A_426 = vector.extract_strided_slice %get3A_5 {offsets = [2], sizes = [1], strides = [1]} : vector<16xf32> to vector<1xf32>
        %squeeze3A_427 = vector.extract %slice3A_426[0] : f32 from vector<1xf32>
        %max3A_428 = arith.constant 0.000000e+00 : f32
        %max3A_429 = vector.broadcast %max3A_428 : f32 to vector<16xf32>
        %max3A_430 = arith.maximumf %gather3A_425, %max3A_429 : vector<16xf32>
        %mul3A_431 = vector.broadcast %squeeze3A_427 : f32 to vector<16xf32>
        %mul3A_432 = arith.mulf %max3A_430, %mul3A_431 : vector<16xf32>
        %add3A_433 = arith.addf %add3A_422, %mul3A_432 : vector<16xf32>
        %broadcast_in_dim3A_434 = arith.constant 35 : i32
        %broadcast_in_dim3A_435 = vector.broadcast %broadcast_in_dim3A_434 : i32 to vector<16xi32>
        %gather3A_436 = tpu.vector_load_idx %arg15[%add3A_50, %broadcast_in_dim3A_435] : memref<128x64xf32, #tpu.memory_space<vmem>>[vector<16xi32>, vector<16xi32>], vector<16xf32>,
        %slice3A_437 = vector.extract_strided_slice %get3A_5 {offsets = [3], sizes = [1], strides = [1]} : vector<16xf32> to vector<1xf32>
        %squeeze3A_438 = vector.extract %slice3A_437[0] : f32 from vector<1xf32>
        %max3A_439 = arith.constant 0.000000e+00 : f32
        %max3A_440 = vector.broadcast %max3A_439 : f32 to vector<16xf32>
        %max3A_441 = arith.maximumf %gather3A_436, %max3A_440 : vector<16xf32>
        %mul3A_442 = vector.broadcast %squeeze3A_438 : f32 to vector<16xf32>
        %mul3A_443 = arith.mulf %max3A_441, %mul3A_442 : vector<16xf32>
        %add3A_444 = arith.addf %add3A_433, %mul3A_443 : vector<16xf32>
        %broadcast_in_dim3A_445 = arith.constant 36 : i32
        %broadcast_in_dim3A_446 = vector.broadcast %broadcast_in_dim3A_445 : i32 to vector<16xi32>
        %gather3A_447 = tpu.vector_load_idx %arg15[%add3A_50, %broadcast_in_dim3A_446] : memref<128x64xf32, #tpu.memory_space<vmem>>[vector<16xi32>, vector<16xi32>], vector<16xf32>,
        %slice3A_448 = vector.extract_strided_slice %get3A_5 {offsets = [4], sizes = [1], strides = [1]} : vector<16xf32> to vector<1xf32>
        %squeeze3A_449 = vector.extract %slice3A_448[0] : f32 from vector<1xf32>
        %max3A_450 = arith.constant 0.000000e+00 : f32
        %max3A_451 = vector.broadcast %max3A_450 : f32 to vector<16xf32>
        %max3A_452 = arith.maximumf %gather3A_447, %max3A_451 : vector<16xf32>
        %mul3A_453 = vector.broadcast %squeeze3A_449 : f32 to vector<16xf32>
        %mul3A_454 = arith.mulf %max3A_452, %mul3A_453 : vector<16xf32>
        %add3A_455 = arith.addf %add3A_444, %mul3A_454 : vector<16xf32>
        %broadcast_in_dim3A_456 = arith.constant 37 : i32
        %broadcast_in_dim3A_457 = vector.broadcast %broadcast_in_dim3A_456 : i32 to vector<16xi32>
        %gather3A_458 = tpu.vector_load_idx %arg15[%add3A_50, %broadcast_in_dim3A_457] : memref<128x64xf32, #tpu.memory_space<vmem>>[vector<16xi32>, vector<16xi32>], vector<16xf32>,
        %slice3A_459 = vector.extract_strided_slice %get3A_5 {offsets = [5], sizes = [1], strides = [1]} : vector<16xf32> to vector<1xf32>
        %squeeze3A_460 = vector.extract %slice3A_459[0] : f32 from vector<1xf32>
        %max3A_461 = arith.constant 0.000000e+00 : f32
        %max3A_462 = vector.broadcast %max3A_461 : f32 to vector<16xf32>
        %max3A_463 = arith.maximumf %gather3A_458, %max3A_462 : vector<16xf32>
        %mul3A_464 = vector.broadcast %squeeze3A_460 : f32 to vector<16xf32>
        %mul3A_465 = arith.mulf %max3A_463, %mul3A_464 : vector<16xf32>
        %add3A_466 = arith.addf %add3A_455, %mul3A_465 : vector<16xf32>
        %broadcast_in_dim3A_467 = arith.constant 38 : i32
        %broadcast_in_dim3A_468 = vector.broadcast %broadcast_in_dim3A_467 : i32 to vector<16xi32>
        %gather3A_469 = tpu.vector_load_idx %arg15[%add3A_50, %broadcast_in_dim3A_468] : memref<128x64xf32, #tpu.memory_space<vmem>>[vector<16xi32>, vector<16xi32>], vector<16xf32>,
        %slice3A_470 = vector.extract_strided_slice %get3A_5 {offsets = [6], sizes = [1], strides = [1]} : vector<16xf32> to vector<1xf32>
        %squeeze3A_471 = vector.extract %slice3A_470[0] : f32 from vector<1xf32>
        %max3A_472 = arith.constant 0.000000e+00 : f32
        %max3A_473 = vector.broadcast %max3A_472 : f32 to vector<16xf32>
        %max3A_474 = arith.maximumf %gather3A_469, %max3A_473 : vector<16xf32>
        %mul3A_475 = vector.broadcast %squeeze3A_471 : f32 to vector<16xf32>
        %mul3A_476 = arith.mulf %max3A_474, %mul3A_475 : vector<16xf32>
        %add3A_477 = arith.addf %add3A_466, %mul3A_476 : vector<16xf32>
        %broadcast_in_dim3A_478 = arith.constant 39 : i32
        %broadcast_in_dim3A_479 = vector.broadcast %broadcast_in_dim3A_478 : i32 to vector<16xi32>
        %gather3A_480 = tpu.vector_load_idx %arg15[%add3A_50, %broadcast_in_dim3A_479] : memref<128x64xf32, #tpu.memory_space<vmem>>[vector<16xi32>, vector<16xi32>], vector<16xf32>,
        %slice3A_481 = vector.extract_strided_slice %get3A_5 {offsets = [7], sizes = [1], strides = [1]} : vector<16xf32> to vector<1xf32>
        %squeeze3A_482 = vector.extract %slice3A_481[0] : f32 from vector<1xf32>
        %max3A_483 = arith.constant 0.000000e+00 : f32
        %max3A_484 = vector.broadcast %max3A_483 : f32 to vector<16xf32>
        %max3A_485 = arith.maximumf %gather3A_480, %max3A_484 : vector<16xf32>
        %mul3A_486 = vector.broadcast %squeeze3A_482 : f32 to vector<16xf32>
        %mul3A_487 = arith.mulf %max3A_485, %mul3A_486 : vector<16xf32>
        %add3A_488 = arith.addf %add3A_477, %mul3A_487 : vector<16xf32>
        %broadcast_in_dim3A_489 = arith.constant 40 : i32
        %broadcast_in_dim3A_490 = vector.broadcast %broadcast_in_dim3A_489 : i32 to vector<16xi32>
        %gather3A_491 = tpu.vector_load_idx %arg15[%add3A_50, %broadcast_in_dim3A_490] : memref<128x64xf32, #tpu.memory_space<vmem>>[vector<16xi32>, vector<16xi32>], vector<16xf32>,
        %slice3A_492 = vector.extract_strided_slice %get3A_5 {offsets = [8], sizes = [1], strides = [1]} : vector<16xf32> to vector<1xf32>
        %squeeze3A_493 = vector.extract %slice3A_492[0] : f32 from vector<1xf32>
        %max3A_494 = arith.constant 0.000000e+00 : f32
        %max3A_495 = vector.broadcast %max3A_494 : f32 to vector<16xf32>
        %max3A_496 = arith.maximumf %gather3A_491, %max3A_495 : vector<16xf32>
        %mul3A_497 = vector.broadcast %squeeze3A_493 : f32 to vector<16xf32>
        %mul3A_498 = arith.mulf %max3A_496, %mul3A_497 : vector<16xf32>
        %add3A_499 = arith.addf %add3A_488, %mul3A_498 : vector<16xf32>
        %broadcast_in_dim3A_500 = arith.constant 41 : i32
        %broadcast_in_dim3A_501 = vector.broadcast %broadcast_in_dim3A_500 : i32 to vector<16xi32>
        %gather3A_502 = tpu.vector_load_idx %arg15[%add3A_50, %broadcast_in_dim3A_501] : memref<128x64xf32, #tpu.memory_space<vmem>>[vector<16xi32>, vector<16xi32>], vector<16xf32>,
        %slice3A_503 = vector.extract_strided_slice %get3A_5 {offsets = [9], sizes = [1], strides = [1]} : vector<16xf32> to vector<1xf32>
        %squeeze3A_504 = vector.extract %slice3A_503[0] : f32 from vector<1xf32>
        %max3A_505 = arith.constant 0.000000e+00 : f32
        %max3A_506 = vector.broadcast %max3A_505 : f32 to vector<16xf32>
        %max3A_507 = arith.maximumf %gather3A_502, %max3A_506 : vector<16xf32>
        %mul3A_508 = vector.broadcast %squeeze3A_504 : f32 to vector<16xf32>
        %mul3A_509 = arith.mulf %max3A_507, %mul3A_508 : vector<16xf32>
        %add3A_510 = arith.addf %add3A_499, %mul3A_509 : vector<16xf32>
        %broadcast_in_dim3A_511 = arith.constant 42 : i32
        %broadcast_in_dim3A_512 = vector.broadcast %broadcast_in_dim3A_511 : i32 to vector<16xi32>
        %gather3A_513 = tpu.vector_load_idx %arg15[%add3A_50, %broadcast_in_dim3A_512] : memref<128x64xf32, #tpu.memory_space<vmem>>[vector<16xi32>, vector<16xi32>], vector<16xf32>,
        %slice3A_514 = vector.extract_strided_slice %get3A_5 {offsets = [10], sizes = [1], strides = [1]} : vector<16xf32> to vector<1xf32>
        %squeeze3A_515 = vector.extract %slice3A_514[0] : f32 from vector<1xf32>
        %max3A_516 = arith.constant 0.000000e+00 : f32
        %max3A_517 = vector.broadcast %max3A_516 : f32 to vector<16xf32>
        %max3A_518 = arith.maximumf %gather3A_513, %max3A_517 : vector<16xf32>
        %mul3A_519 = vector.broadcast %squeeze3A_515 : f32 to vector<16xf32>
        %mul3A_520 = arith.mulf %max3A_518, %mul3A_519 : vector<16xf32>
        %add3A_521 = arith.addf %add3A_510, %mul3A_520 : vector<16xf32>
        %broadcast_in_dim3A_522 = arith.constant 43 : i32
        %broadcast_in_dim3A_523 = vector.broadcast %broadcast_in_dim3A_522 : i32 to vector<16xi32>
        %gather3A_524 = tpu.vector_load_idx %arg15[%add3A_50, %broadcast_in_dim3A_523] : memref<128x64xf32, #tpu.memory_space<vmem>>[vector<16xi32>, vector<16xi32>], vector<16xf32>,
        %slice3A_525 = vector.extract_strided_slice %get3A_5 {offsets = [11], sizes = [1], strides = [1]} : vector<16xf32> to vector<1xf32>
        %squeeze3A_526 = vector.extract %slice3A_525[0] : f32 from vector<1xf32>
        %max3A_527 = arith.constant 0.000000e+00 : f32
        %max3A_528 = vector.broadcast %max3A_527 : f32 to vector<16xf32>
        %max3A_529 = arith.maximumf %gather3A_524, %max3A_528 : vector<16xf32>
        %mul3A_530 = vector.broadcast %squeeze3A_526 : f32 to vector<16xf32>
        %mul3A_531 = arith.mulf %max3A_529, %mul3A_530 : vector<16xf32>
        %add3A_532 = arith.addf %add3A_521, %mul3A_531 : vector<16xf32>
        %broadcast_in_dim3A_533 = arith.constant 44 : i32
        %broadcast_in_dim3A_534 = vector.broadcast %broadcast_in_dim3A_533 : i32 to vector<16xi32>
        %gather3A_535 = tpu.vector_load_idx %arg15[%add3A_50, %broadcast_in_dim3A_534] : memref<128x64xf32, #tpu.memory_space<vmem>>[vector<16xi32>, vector<16xi32>], vector<16xf32>,
        %slice3A_536 = vector.extract_strided_slice %get3A_5 {offsets = [12], sizes = [1], strides = [1]} : vector<16xf32> to vector<1xf32>
        %squeeze3A_537 = vector.extract %slice3A_536[0] : f32 from vector<1xf32>
        %max3A_538 = arith.constant 0.000000e+00 : f32
        %max3A_539 = vector.broadcast %max3A_538 : f32 to vector<16xf32>
        %max3A_540 = arith.maximumf %gather3A_535, %max3A_539 : vector<16xf32>
        %mul3A_541 = vector.broadcast %squeeze3A_537 : f32 to vector<16xf32>
        %mul3A_542 = arith.mulf %max3A_540, %mul3A_541 : vector<16xf32>
        %add3A_543 = arith.addf %add3A_532, %mul3A_542 : vector<16xf32>
        %broadcast_in_dim3A_544 = arith.constant 45 : i32
        %broadcast_in_dim3A_545 = vector.broadcast %broadcast_in_dim3A_544 : i32 to vector<16xi32>
        %gather3A_546 = tpu.vector_load_idx %arg15[%add3A_50, %broadcast_in_dim3A_545] : memref<128x64xf32, #tpu.memory_space<vmem>>[vector<16xi32>, vector<16xi32>], vector<16xf32>,
        %slice3A_547 = vector.extract_strided_slice %get3A_5 {offsets = [13], sizes = [1], strides = [1]} : vector<16xf32> to vector<1xf32>
        %squeeze3A_548 = vector.extract %slice3A_547[0] : f32 from vector<1xf32>
        %max3A_549 = arith.constant 0.000000e+00 : f32
        %max3A_550 = vector.broadcast %max3A_549 : f32 to vector<16xf32>
        %max3A_551 = arith.maximumf %gather3A_546, %max3A_550 : vector<16xf32>
        %mul3A_552 = vector.broadcast %squeeze3A_548 : f32 to vector<16xf32>
        %mul3A_553 = arith.mulf %max3A_551, %mul3A_552 : vector<16xf32>
        %add3A_554 = arith.addf %add3A_543, %mul3A_553 : vector<16xf32>
        %broadcast_in_dim3A_555 = arith.constant 46 : i32
        %broadcast_in_dim3A_556 = vector.broadcast %broadcast_in_dim3A_555 : i32 to vector<16xi32>
        %gather3A_557 = tpu.vector_load_idx %arg15[%add3A_50, %broadcast_in_dim3A_556] : memref<128x64xf32, #tpu.memory_space<vmem>>[vector<16xi32>, vector<16xi32>], vector<16xf32>,
        %slice3A_558 = vector.extract_strided_slice %get3A_5 {offsets = [14], sizes = [1], strides = [1]} : vector<16xf32> to vector<1xf32>
        %squeeze3A_559 = vector.extract %slice3A_558[0] : f32 from vector<1xf32>
        %max3A_560 = arith.constant 0.000000e+00 : f32
        %max3A_561 = vector.broadcast %max3A_560 : f32 to vector<16xf32>
        %max3A_562 = arith.maximumf %gather3A_557, %max3A_561 : vector<16xf32>
        %mul3A_563 = vector.broadcast %squeeze3A_559 : f32 to vector<16xf32>
        %mul3A_564 = arith.mulf %max3A_562, %mul3A_563 : vector<16xf32>
        %add3A_565 = arith.addf %add3A_554, %mul3A_564 : vector<16xf32>
        %broadcast_in_dim3A_566 = arith.constant 47 : i32
        %broadcast_in_dim3A_567 = vector.broadcast %broadcast_in_dim3A_566 : i32 to vector<16xi32>
        %gather3A_568 = tpu.vector_load_idx %arg15[%add3A_50, %broadcast_in_dim3A_567] : memref<128x64xf32, #tpu.memory_space<vmem>>[vector<16xi32>, vector<16xi32>], vector<16xf32>,
        %slice3A_569 = vector.extract_strided_slice %get3A_5 {offsets = [15], sizes = [1], strides = [1]} : vector<16xf32> to vector<1xf32>
        %squeeze3A_570 = vector.extract %slice3A_569[0] : f32 from vector<1xf32>
        %max3A_571 = arith.constant 0.000000e+00 : f32
        %max3A_572 = vector.broadcast %max3A_571 : f32 to vector<16xf32>
        %max3A_573 = arith.maximumf %gather3A_568, %max3A_572 : vector<16xf32>
        %mul3A_574 = vector.broadcast %squeeze3A_570 : f32 to vector<16xf32>
        %mul3A_575 = arith.mulf %max3A_573, %mul3A_574 : vector<16xf32>
        %add3A_576 = arith.addf %add3A_565, %mul3A_575 : vector<16xf32>
        %broadcast_in_dim3A_577 = arith.constant 48 : i32
        %broadcast_in_dim3A_578 = vector.broadcast %broadcast_in_dim3A_577 : i32 to vector<16xi32>
        %gather3A_579 = tpu.vector_load_idx %arg15[%add3A_50, %broadcast_in_dim3A_578] : memref<128x64xf32, #tpu.memory_space<vmem>>[vector<16xi32>, vector<16xi32>], vector<16xf32>,
        %slice3A_580 = vector.extract_strided_slice %get3A_7 {offsets = [0], sizes = [1], strides = [1]} : vector<16xf32> to vector<1xf32>
        %squeeze3A_581 = vector.extract %slice3A_580[0] : f32 from vector<1xf32>
        %max3A_582 = arith.constant 0.000000e+00 : f32
        %max3A_583 = vector.broadcast %max3A_582 : f32 to vector<16xf32>
        %max3A_584 = arith.maximumf %gather3A_579, %max3A_583 : vector<16xf32>
        %mul3A_585 = vector.broadcast %squeeze3A_581 : f32 to vector<16xf32>
        %mul3A_586 = arith.mulf %max3A_584, %mul3A_585 : vector<16xf32>
        %add3A_587 = arith.addf %add3A_576, %mul3A_586 : vector<16xf32>
        %broadcast_in_dim3A_588 = arith.constant 49 : i32
        %broadcast_in_dim3A_589 = vector.broadcast %broadcast_in_dim3A_588 : i32 to vector<16xi32>
        %gather3A_590 = tpu.vector_load_idx %arg15[%add3A_50, %broadcast_in_dim3A_589] : memref<128x64xf32, #tpu.memory_space<vmem>>[vector<16xi32>, vector<16xi32>], vector<16xf32>,
        %slice3A_591 = vector.extract_strided_slice %get3A_7 {offsets = [1], sizes = [1], strides = [1]} : vector<16xf32> to vector<1xf32>
        %squeeze3A_592 = vector.extract %slice3A_591[0] : f32 from vector<1xf32>
        %max3A_593 = arith.constant 0.000000e+00 : f32
        %max3A_594 = vector.broadcast %max3A_593 : f32 to vector<16xf32>
        %max3A_595 = arith.maximumf %gather3A_590, %max3A_594 : vector<16xf32>
        %mul3A_596 = vector.broadcast %squeeze3A_592 : f32 to vector<16xf32>
        %mul3A_597 = arith.mulf %max3A_595, %mul3A_596 : vector<16xf32>
        %add3A_598 = arith.addf %add3A_587, %mul3A_597 : vector<16xf32>
        %broadcast_in_dim3A_599 = arith.constant 50 : i32
        %broadcast_in_dim3A_600 = vector.broadcast %broadcast_in_dim3A_599 : i32 to vector<16xi32>
        %gather3A_601 = tpu.vector_load_idx %arg15[%add3A_50, %broadcast_in_dim3A_600] : memref<128x64xf32, #tpu.memory_space<vmem>>[vector<16xi32>, vector<16xi32>], vector<16xf32>,
        %slice3A_602 = vector.extract_strided_slice %get3A_7 {offsets = [2], sizes = [1], strides = [1]} : vector<16xf32> to vector<1xf32>
        %squeeze3A_603 = vector.extract %slice3A_602[0] : f32 from vector<1xf32>
        %max3A_604 = arith.constant 0.000000e+00 : f32
        %max3A_605 = vector.broadcast %max3A_604 : f32 to vector<16xf32>
        %max3A_606 = arith.maximumf %gather3A_601, %max3A_605 : vector<16xf32>
        %mul3A_607 = vector.broadcast %squeeze3A_603 : f32 to vector<16xf32>
        %mul3A_608 = arith.mulf %max3A_606, %mul3A_607 : vector<16xf32>
        %add3A_609 = arith.addf %add3A_598, %mul3A_608 : vector<16xf32>
        %broadcast_in_dim3A_610 = arith.constant 51 : i32
        %broadcast_in_dim3A_611 = vector.broadcast %broadcast_in_dim3A_610 : i32 to vector<16xi32>
        %gather3A_612 = tpu.vector_load_idx %arg15[%add3A_50, %broadcast_in_dim3A_611] : memref<128x64xf32, #tpu.memory_space<vmem>>[vector<16xi32>, vector<16xi32>], vector<16xf32>,
        %slice3A_613 = vector.extract_strided_slice %get3A_7 {offsets = [3], sizes = [1], strides = [1]} : vector<16xf32> to vector<1xf32>
        %squeeze3A_614 = vector.extract %slice3A_613[0] : f32 from vector<1xf32>
        %max3A_615 = arith.constant 0.000000e+00 : f32
        %max3A_616 = vector.broadcast %max3A_615 : f32 to vector<16xf32>
        %max3A_617 = arith.maximumf %gather3A_612, %max3A_616 : vector<16xf32>
        %mul3A_618 = vector.broadcast %squeeze3A_614 : f32 to vector<16xf32>
        %mul3A_619 = arith.mulf %max3A_617, %mul3A_618 : vector<16xf32>
        %add3A_620 = arith.addf %add3A_609, %mul3A_619 : vector<16xf32>
        %broadcast_in_dim3A_621 = arith.constant 52 : i32
        %broadcast_in_dim3A_622 = vector.broadcast %broadcast_in_dim3A_621 : i32 to vector<16xi32>
        %gather3A_623 = tpu.vector_load_idx %arg15[%add3A_50, %broadcast_in_dim3A_622] : memref<128x64xf32, #tpu.memory_space<vmem>>[vector<16xi32>, vector<16xi32>], vector<16xf32>,
        %slice3A_624 = vector.extract_strided_slice %get3A_7 {offsets = [4], sizes = [1], strides = [1]} : vector<16xf32> to vector<1xf32>
        %squeeze3A_625 = vector.extract %slice3A_624[0] : f32 from vector<1xf32>
        %max3A_626 = arith.constant 0.000000e+00 : f32
        %max3A_627 = vector.broadcast %max3A_626 : f32 to vector<16xf32>
        %max3A_628 = arith.maximumf %gather3A_623, %max3A_627 : vector<16xf32>
        %mul3A_629 = vector.broadcast %squeeze3A_625 : f32 to vector<16xf32>
        %mul3A_630 = arith.mulf %max3A_628, %mul3A_629 : vector<16xf32>
        %add3A_631 = arith.addf %add3A_620, %mul3A_630 : vector<16xf32>
        %broadcast_in_dim3A_632 = arith.constant 53 : i32
        %broadcast_in_dim3A_633 = vector.broadcast %broadcast_in_dim3A_632 : i32 to vector<16xi32>
        %gather3A_634 = tpu.vector_load_idx %arg15[%add3A_50, %broadcast_in_dim3A_633] : memref<128x64xf32, #tpu.memory_space<vmem>>[vector<16xi32>, vector<16xi32>], vector<16xf32>,
        %slice3A_635 = vector.extract_strided_slice %get3A_7 {offsets = [5], sizes = [1], strides = [1]} : vector<16xf32> to vector<1xf32>
        %squeeze3A_636 = vector.extract %slice3A_635[0] : f32 from vector<1xf32>
        %max3A_637 = arith.constant 0.000000e+00 : f32
        %max3A_638 = vector.broadcast %max3A_637 : f32 to vector<16xf32>
        %max3A_639 = arith.maximumf %gather3A_634, %max3A_638 : vector<16xf32>
        %mul3A_640 = vector.broadcast %squeeze3A_636 : f32 to vector<16xf32>
        %mul3A_641 = arith.mulf %max3A_639, %mul3A_640 : vector<16xf32>
        %add3A_642 = arith.addf %add3A_631, %mul3A_641 : vector<16xf32>
        %broadcast_in_dim3A_643 = arith.constant 54 : i32
        %broadcast_in_dim3A_644 = vector.broadcast %broadcast_in_dim3A_643 : i32 to vector<16xi32>
        %gather3A_645 = tpu.vector_load_idx %arg15[%add3A_50, %broadcast_in_dim3A_644] : memref<128x64xf32, #tpu.memory_space<vmem>>[vector<16xi32>, vector<16xi32>], vector<16xf32>,
        %slice3A_646 = vector.extract_strided_slice %get3A_7 {offsets = [6], sizes = [1], strides = [1]} : vector<16xf32> to vector<1xf32>
        %squeeze3A_647 = vector.extract %slice3A_646[0] : f32 from vector<1xf32>
        %max3A_648 = arith.constant 0.000000e+00 : f32
        %max3A_649 = vector.broadcast %max3A_648 : f32 to vector<16xf32>
        %max3A_650 = arith.maximumf %gather3A_645, %max3A_649 : vector<16xf32>
        %mul3A_651 = vector.broadcast %squeeze3A_647 : f32 to vector<16xf32>
        %mul3A_652 = arith.mulf %max3A_650, %mul3A_651 : vector<16xf32>
        %add3A_653 = arith.addf %add3A_642, %mul3A_652 : vector<16xf32>
        %broadcast_in_dim3A_654 = arith.constant 55 : i32
        %broadcast_in_dim3A_655 = vector.broadcast %broadcast_in_dim3A_654 : i32 to vector<16xi32>
        %gather3A_656 = tpu.vector_load_idx %arg15[%add3A_50, %broadcast_in_dim3A_655] : memref<128x64xf32, #tpu.memory_space<vmem>>[vector<16xi32>, vector<16xi32>], vector<16xf32>,
        %slice3A_657 = vector.extract_strided_slice %get3A_7 {offsets = [7], sizes = [1], strides = [1]} : vector<16xf32> to vector<1xf32>
        %squeeze3A_658 = vector.extract %slice3A_657[0] : f32 from vector<1xf32>
        %max3A_659 = arith.constant 0.000000e+00 : f32
        %max3A_660 = vector.broadcast %max3A_659 : f32 to vector<16xf32>
        %max3A_661 = arith.maximumf %gather3A_656, %max3A_660 : vector<16xf32>
        %mul3A_662 = vector.broadcast %squeeze3A_658 : f32 to vector<16xf32>
        %mul3A_663 = arith.mulf %max3A_661, %mul3A_662 : vector<16xf32>
        %add3A_664 = arith.addf %add3A_653, %mul3A_663 : vector<16xf32>
        %broadcast_in_dim3A_665 = arith.constant 56 : i32
        %broadcast_in_dim3A_666 = vector.broadcast %broadcast_in_dim3A_665 : i32 to vector<16xi32>
        %gather3A_667 = tpu.vector_load_idx %arg15[%add3A_50, %broadcast_in_dim3A_666] : memref<128x64xf32, #tpu.memory_space<vmem>>[vector<16xi32>, vector<16xi32>], vector<16xf32>,
        %slice3A_668 = vector.extract_strided_slice %get3A_7 {offsets = [8], sizes = [1], strides = [1]} : vector<16xf32> to vector<1xf32>
        %squeeze3A_669 = vector.extract %slice3A_668[0] : f32 from vector<1xf32>
        %max3A_670 = arith.constant 0.000000e+00 : f32
        %max3A_671 = vector.broadcast %max3A_670 : f32 to vector<16xf32>
        %max3A_672 = arith.maximumf %gather3A_667, %max3A_671 : vector<16xf32>
        %mul3A_673 = vector.broadcast %squeeze3A_669 : f32 to vector<16xf32>
        %mul3A_674 = arith.mulf %max3A_672, %mul3A_673 : vector<16xf32>
        %add3A_675 = arith.addf %add3A_664, %mul3A_674 : vector<16xf32>
        %broadcast_in_dim3A_676 = arith.constant 57 : i32
        %broadcast_in_dim3A_677 = vector.broadcast %broadcast_in_dim3A_676 : i32 to vector<16xi32>
        %gather3A_678 = tpu.vector_load_idx %arg15[%add3A_50, %broadcast_in_dim3A_677] : memref<128x64xf32, #tpu.memory_space<vmem>>[vector<16xi32>, vector<16xi32>], vector<16xf32>,
        %slice3A_679 = vector.extract_strided_slice %get3A_7 {offsets = [9], sizes = [1], strides = [1]} : vector<16xf32> to vector<1xf32>
        %squeeze3A_680 = vector.extract %slice3A_679[0] : f32 from vector<1xf32>
        %max3A_681 = arith.constant 0.000000e+00 : f32
        %max3A_682 = vector.broadcast %max3A_681 : f32 to vector<16xf32>
        %max3A_683 = arith.maximumf %gather3A_678, %max3A_682 : vector<16xf32>
        %mul3A_684 = vector.broadcast %squeeze3A_680 : f32 to vector<16xf32>
        %mul3A_685 = arith.mulf %max3A_683, %mul3A_684 : vector<16xf32>
        %add3A_686 = arith.addf %add3A_675, %mul3A_685 : vector<16xf32>
        %broadcast_in_dim3A_687 = arith.constant 58 : i32
        %broadcast_in_dim3A_688 = vector.broadcast %broadcast_in_dim3A_687 : i32 to vector<16xi32>
        %gather3A_689 = tpu.vector_load_idx %arg15[%add3A_50, %broadcast_in_dim3A_688] : memref<128x64xf32, #tpu.memory_space<vmem>>[vector<16xi32>, vector<16xi32>], vector<16xf32>,
        %slice3A_690 = vector.extract_strided_slice %get3A_7 {offsets = [10], sizes = [1], strides = [1]} : vector<16xf32> to vector<1xf32>
        %squeeze3A_691 = vector.extract %slice3A_690[0] : f32 from vector<1xf32>
        %max3A_692 = arith.constant 0.000000e+00 : f32
        %max3A_693 = vector.broadcast %max3A_692 : f32 to vector<16xf32>
        %max3A_694 = arith.maximumf %gather3A_689, %max3A_693 : vector<16xf32>
        %mul3A_695 = vector.broadcast %squeeze3A_691 : f32 to vector<16xf32>
        %mul3A_696 = arith.mulf %max3A_694, %mul3A_695 : vector<16xf32>
        %add3A_697 = arith.addf %add3A_686, %mul3A_696 : vector<16xf32>
        %broadcast_in_dim3A_698 = arith.constant 59 : i32
        %broadcast_in_dim3A_699 = vector.broadcast %broadcast_in_dim3A_698 : i32 to vector<16xi32>
        %gather3A_700 = tpu.vector_load_idx %arg15[%add3A_50, %broadcast_in_dim3A_699] : memref<128x64xf32, #tpu.memory_space<vmem>>[vector<16xi32>, vector<16xi32>], vector<16xf32>,
        %slice3A_701 = vector.extract_strided_slice %get3A_7 {offsets = [11], sizes = [1], strides = [1]} : vector<16xf32> to vector<1xf32>
        %squeeze3A_702 = vector.extract %slice3A_701[0] : f32 from vector<1xf32>
        %max3A_703 = arith.constant 0.000000e+00 : f32
        %max3A_704 = vector.broadcast %max3A_703 : f32 to vector<16xf32>
        %max3A_705 = arith.maximumf %gather3A_700, %max3A_704 : vector<16xf32>
        %mul3A_706 = vector.broadcast %squeeze3A_702 : f32 to vector<16xf32>
        %mul3A_707 = arith.mulf %max3A_705, %mul3A_706 : vector<16xf32>
        %add3A_708 = arith.addf %add3A_697, %mul3A_707 : vector<16xf32>
        %broadcast_in_dim3A_709 = arith.constant 60 : i32
        %broadcast_in_dim3A_710 = vector.broadcast %broadcast_in_dim3A_709 : i32 to vector<16xi32>
        %gather3A_711 = tpu.vector_load_idx %arg15[%add3A_50, %broadcast_in_dim3A_710] : memref<128x64xf32, #tpu.memory_space<vmem>>[vector<16xi32>, vector<16xi32>], vector<16xf32>,
        %slice3A_712 = vector.extract_strided_slice %get3A_7 {offsets = [12], sizes = [1], strides = [1]} : vector<16xf32> to vector<1xf32>
        %squeeze3A_713 = vector.extract %slice3A_712[0] : f32 from vector<1xf32>
        %max3A_714 = arith.constant 0.000000e+00 : f32
        %max3A_715 = vector.broadcast %max3A_714 : f32 to vector<16xf32>
        %max3A_716 = arith.maximumf %gather3A_711, %max3A_715 : vector<16xf32>
        %mul3A_717 = vector.broadcast %squeeze3A_713 : f32 to vector<16xf32>
        %mul3A_718 = arith.mulf %max3A_716, %mul3A_717 : vector<16xf32>
        %add3A_719 = arith.addf %add3A_708, %mul3A_718 : vector<16xf32>
        %broadcast_in_dim3A_720 = arith.constant 61 : i32
        %broadcast_in_dim3A_721 = vector.broadcast %broadcast_in_dim3A_720 : i32 to vector<16xi32>
        %gather3A_722 = tpu.vector_load_idx %arg15[%add3A_50, %broadcast_in_dim3A_721] : memref<128x64xf32, #tpu.memory_space<vmem>>[vector<16xi32>, vector<16xi32>], vector<16xf32>,
        %slice3A_723 = vector.extract_strided_slice %get3A_7 {offsets = [13], sizes = [1], strides = [1]} : vector<16xf32> to vector<1xf32>
        %squeeze3A_724 = vector.extract %slice3A_723[0] : f32 from vector<1xf32>
        %max3A_725 = arith.constant 0.000000e+00 : f32
        %max3A_726 = vector.broadcast %max3A_725 : f32 to vector<16xf32>
        %max3A_727 = arith.maximumf %gather3A_722, %max3A_726 : vector<16xf32>
        %mul3A_728 = vector.broadcast %squeeze3A_724 : f32 to vector<16xf32>
        %mul3A_729 = arith.mulf %max3A_727, %mul3A_728 : vector<16xf32>
        %add3A_730 = arith.addf %add3A_719, %mul3A_729 : vector<16xf32>
        %broadcast_in_dim3A_731 = arith.constant 62 : i32
        %broadcast_in_dim3A_732 = vector.broadcast %broadcast_in_dim3A_731 : i32 to vector<16xi32>
        %gather3A_733 = tpu.vector_load_idx %arg15[%add3A_50, %broadcast_in_dim3A_732] : memref<128x64xf32, #tpu.memory_space<vmem>>[vector<16xi32>, vector<16xi32>], vector<16xf32>,
        %slice3A_734 = vector.extract_strided_slice %get3A_7 {offsets = [14], sizes = [1], strides = [1]} : vector<16xf32> to vector<1xf32>
        %squeeze3A_735 = vector.extract %slice3A_734[0] : f32 from vector<1xf32>
        %max3A_736 = arith.constant 0.000000e+00 : f32
        %max3A_737 = vector.broadcast %max3A_736 : f32 to vector<16xf32>
        %max3A_738 = arith.maximumf %gather3A_733, %max3A_737 : vector<16xf32>
        %mul3A_739 = vector.broadcast %squeeze3A_735 : f32 to vector<16xf32>
        %mul3A_740 = arith.mulf %max3A_738, %mul3A_739 : vector<16xf32>
        %add3A_741 = arith.addf %add3A_730, %mul3A_740 : vector<16xf32>
        %broadcast_in_dim3A_742 = arith.constant 63 : i32
        %broadcast_in_dim3A_743 = vector.broadcast %broadcast_in_dim3A_742 : i32 to vector<16xi32>
        %gather3A_744 = tpu.vector_load_idx %arg15[%add3A_50, %broadcast_in_dim3A_743] : memref<128x64xf32, #tpu.memory_space<vmem>>[vector<16xi32>, vector<16xi32>], vector<16xf32>,
        %slice3A_745 = vector.extract_strided_slice %get3A_7 {offsets = [15], sizes = [1], strides = [1]} : vector<16xf32> to vector<1xf32>
        %squeeze3A_746 = vector.extract %slice3A_745[0] : f32 from vector<1xf32>
        %max3A_747 = arith.constant 0.000000e+00 : f32
        %max3A_748 = vector.broadcast %max3A_747 : f32 to vector<16xf32>
        %max3A_749 = arith.maximumf %gather3A_744, %max3A_748 : vector<16xf32>
        %mul3A_750 = vector.broadcast %squeeze3A_746 : f32 to vector<16xf32>
        %mul3A_751 = arith.mulf %max3A_749, %mul3A_750 : vector<16xf32>
        %add3A_752 = arith.addf %add3A_741, %mul3A_751 : vector<16xf32>
        %get3A_753 = arith.index_cast %scan3A_15 : i32 to index
        %get3A_754 = arith.index_cast %mul3A_48 : i32 to index
        %get3A_755 = tpu.vector_load %arg14[%get3A_753, %get3A_754] {strides = array<i32>} : memref<40x128xf32, #tpu.memory_space<vmem>>, vector<16xf32>,
        %add3A_756 = arith.addf %get3A_755, %add3A_752 : vector<16xf32>
        %neg3A = arith.constant 0.000000e+00 : f32
        %neg3A_757 = vector.broadcast %neg3A : f32 to vector<16xf32>
        %neg3A_758 = arith.subf %neg3A_757, %add3A_756 : vector<16xf32>
        %exp3A = math.exp %neg3A_758 : vector<16xf32>
        %add3A_759 = arith.constant 1.000000e+00 : f32
        %add3A_760 = vector.broadcast %add3A_759 : f32 to vector<16xf32>
        %add3A_761 = arith.addf %add3A_760, %exp3A : vector<16xf32>
        %div3A = arith.constant 1.000000e+00 : f32
        %div3A_762 = vector.broadcast %div3A : f32 to vector<16xf32>
        %div3A_763 = arith.divf %div3A_762, %add3A_761 : vector<16xf32>
        %add3A_764 = arith.addf %scan3A_46, %div3A_763 : vector<16xf32>
        %get3A_765 = arith.index_cast %scan3A_15 : i32 to index
        %get3A_766 = arith.index_cast %mul3A_48 : i32 to index
        %get3A_767 = tpu.vector_load %arg13[%get3A_765, %get3A_766] {strides = array<i32>} : memref<40x128xf32, #tpu.memory_space<vmem>>, vector<16xf32>,
        %mul3A_768 = arith.mulf %get3A_767, %div3A_763 : vector<16xf32>
        %swap3A_769 = arith.index_cast %mul3A_48 : i32 to index
        %swap3A_770 = tpu.vector_load %arg16[%swap3A_769] {strides = array<i32>} : memref<128xf32, #tpu.memory_space<vmem>>, vector<16xf32>,
        tpu.vector_store %arg16[%swap3A_769], %mul3A_768 {strides = array<i32>} : memref<128xf32, #tpu.memory_space<vmem>>, vector<16xf32>,
        scf.yield %add3A_764 : vector<16xf32>
      }
      %scan3A_44 = arith.constant 8 : i32
      "tpu.region"() ({
        %run_scoped3A = tpu.sem_alloc : memref<!tpu.dma_semaphore, #tpu.memory_space<semaphore_mem>>
        %dma_start3A_45 = arith.constant 0 : i32
        %dma_start3A_46 = tpu.memref_slice %arg9[%add3A, %scan3A_15, %dma_start3A_45] : memref<32x40x128xf32, #tpu.memory_space<hbm>> -> memref<1x1x128xf32, #tpu.memory_space<hbm>>
        %dma_start3A_47 = tpu.memref_squeeze %dma_start3A_46 : memref<1x1x128xf32, #tpu.memory_space<hbm>> -> memref<128xf32, #tpu.memory_space<hbm>>
        %dma_start3A_48 = arith.constant 0 : i32
        %dma_start3A_49 = tpu.memref_slice %arg9[%add3A, %scan3A_15, %dma_start3A_48] : memref<32x40x128xf32, #tpu.memory_space<hbm>> -> memref<1x1x128xf32, #tpu.memory_space<hbm>>
        %dma_start3A_50 = tpu.memref_squeeze %dma_start3A_49 : memref<1x1x128xf32, #tpu.memory_space<hbm>> -> memref<128xf32, #tpu.memory_space<hbm>>
        tpu.enqueue_dma source(%arg16 : memref<128xf32, #tpu.memory_space<vmem>>) target(%dma_start3A_50 : memref<128xf32, #tpu.memory_space<hbm>>) target_semaphore(%run_scoped3A : memref<!tpu.dma_semaphore, #tpu.memory_space<semaphore_mem>>)
        %dma_wait3A_51 = arith.constant 0 : i32
        %dma_wait3A_52 = tpu.memref_slice %arg9[%add3A, %scan3A_15, %dma_wait3A_51] : memref<32x40x128xf32, #tpu.memory_space<hbm>> -> memref<1x1x128xf32, #tpu.memory_space<hbm>>
        %dma_wait3A_53 = tpu.memref_squeeze %dma_wait3A_52 : memref<1x1x128xf32, #tpu.memory_space<hbm>> -> memref<128xf32, #tpu.memory_space<hbm>>
        %dma_wait3A_54 = arith.constant 0 : i32
        %dma_wait3A_55 = tpu.memref_slice %arg9[%add3A, %scan3A_15, %dma_wait3A_54] : memref<32x40x128xf32, #tpu.memory_space<hbm>> -> memref<1x1x128xf32, #tpu.memory_space<hbm>>
        %dma_wait3A_56 = tpu.memref_squeeze %dma_wait3A_55 : memref<1x1x128xf32, #tpu.memory_space<hbm>> -> memref<128xf32, #tpu.memory_space<hbm>>
        tpu.wait_dma2 semaphore(%run_scoped3A : memref<!tpu.dma_semaphore, #tpu.memory_space<semaphore_mem>>) src(%arg16 : memref<128xf32, #tpu.memory_space<vmem>>) dst(%dma_wait3A_56 : memref<128xf32, #tpu.memory_space<hbm>>)
        tpu.yield
      }) : () -> ()
      scf.yield %scan3A_43 : vector<16xf32>
    }
    %scan3A_13 = arith.constant 40 : i32
    %swap3A = arith.constant 0 : index
    %swap3A_14 = tpu.vector_load %arg18[%swap3A] {strides = array<i32>} : memref<16xf32, #tpu.memory_space<vmem>>, vector<16xf32>,
    tpu.vector_store %arg18[%swap3A], %scan3A_12 {strides = array<i32>} : memref<16xf32, #tpu.memory_space<vmem>>, vector<16xf32>,
    "tpu.region"() ({
      %run_scoped3A = tpu.sem_alloc : memref<!tpu.dma_semaphore, #tpu.memory_space<semaphore_mem>>
      %dma_start3A = arith.constant 0 : i32
      %dma_start3A_15 = tpu.memref_slice %arg10[%add3A, %dma_start3A] : memref<32x16xf32, #tpu.memory_space<hbm>> -> memref<1x16xf32, #tpu.memory_space<hbm>>
      %dma_start3A_16 = tpu.memref_squeeze %dma_start3A_15 : memref<1x16xf32, #tpu.memory_space<hbm>> -> memref<16xf32, #tpu.memory_space<hbm>>
      %dma_start3A_17 = arith.constant 0 : i32
      %dma_start3A_18 = tpu.memref_slice %arg10[%add3A, %dma_start3A_17] : memref<32x16xf32, #tpu.memory_space<hbm>> -> memref<1x16xf32, #tpu.memory_space<hbm>>
      %dma_start3A_19 = tpu.memref_squeeze %dma_start3A_18 : memref<1x16xf32, #tpu.memory_space<hbm>> -> memref<16xf32, #tpu.memory_space<hbm>>
      tpu.enqueue_dma source(%arg18 : memref<16xf32, #tpu.memory_space<vmem>>) target(%dma_start3A_19 : memref<16xf32, #tpu.memory_space<hbm>>) target_semaphore(%run_scoped3A : memref<!tpu.dma_semaphore, #tpu.memory_space<semaphore_mem>>)
      %dma_wait3A = arith.constant 0 : i32
      %dma_wait3A_20 = tpu.memref_slice %arg10[%add3A, %dma_wait3A] : memref<32x16xf32, #tpu.memory_space<hbm>> -> memref<1x16xf32, #tpu.memory_space<hbm>>
      %dma_wait3A_21 = tpu.memref_squeeze %dma_wait3A_20 : memref<1x16xf32, #tpu.memory_space<hbm>> -> memref<16xf32, #tpu.memory_space<hbm>>
      %dma_wait3A_22 = arith.constant 0 : i32
      %dma_wait3A_23 = tpu.memref_slice %arg10[%add3A, %dma_wait3A_22] : memref<32x16xf32, #tpu.memory_space<hbm>> -> memref<1x16xf32, #tpu.memory_space<hbm>>
      %dma_wait3A_24 = tpu.memref_squeeze %dma_wait3A_23 : memref<1x16xf32, #tpu.memory_space<hbm>> -> memref<16xf32, #tpu.memory_space<hbm>>
      tpu.wait_dma2 semaphore(%run_scoped3A : memref<!tpu.dma_semaphore, #tpu.memory_space<semaphore_mem>>) src(%arg18 : memref<16xf32, #tpu.memory_space<vmem>>) dst(%dma_wait3A_24 : memref<16xf32, #tpu.memory_space<hbm>>)
      tpu.yield
    }) : () -> ()
    return
  }
}

module attributes {stable_mosaic.version = 14 : i64} {
  func.func @_tc_tables_body(%arg0: i32, %arg1: memref<1000x128xf32, #tpu.memory_space<vmem>>, %arg2: memref<256x64xf32, #tpu.memory_space<vmem>>, %arg3: memref<1x64xf32, #tpu.memory_space<vmem>>, %arg4: memref<1000x64xf32, #tpu.memory_space<vmem>>, %arg5: memref<1000x64xf32, #tpu.memory_space<vmem>>) attributes {dimension_semantics = [#tpu.dimension_semantics<arbitrary>], iteration_bounds = array<i64: 10>, scalar_prefetch = 0 : i64, scratch_operands = 0 : i64, tpu.core_type = #tpu.core_type<tc>, window_params = [{transform_indices = @transform_0, window_bounds = array<i64: 1000, 128>}, {pipeline_mode = #tpu.pipeline_mode<synchronous>, transform_indices = @transform_1, window_bounds = array<i64: 256, 64>}, {pipeline_mode = #tpu.pipeline_mode<synchronous>, transform_indices = @transform_2, window_bounds = array<i64: 1, 64>}, {transform_indices = @transform_3, window_bounds = array<i64: 1000, 64>}, {transform_indices = @transform_4, window_bounds = array<i64: 1000, 64>}]} {
    %get3A = arith.constant 0 : index
    %get3A_0 = arith.constant 0 : index
    %get3A_1 = vector.load %arg1[%get3A, %get3A_0] : memref<1000x128xf32, #tpu.memory_space<vmem>>, vector<1000x128xf32>
    %get3A_2 = arith.constant 0 : index
    %get3A_3 = arith.constant 0 : index
    %get3A_4 = vector.load %arg2[%get3A_2, %get3A_3] : memref<256x64xf32, #tpu.memory_space<vmem>>, vector<128x64xf32>
    %get3A_5 = arith.constant 128 : index
    %get3A_6 = arith.constant 0 : index
    %get3A_7 = vector.load %arg2[%get3A_5, %get3A_6] : memref<256x64xf32, #tpu.memory_space<vmem>>, vector<128x64xf32>
    %dot_general3A = arith.constant dense<0.000000e+00> : vector<1000x64xf32>
    %dot_general3A_8 = tpu.matmul %get3A_1, %get3A_4, %dot_general3A {dimension_numbers = #tpu.dot_dimension_numbers<[1], [0], [0], [1], [0, 0, 1, 1], [], []>, transpose_lhs_hint = false} : vector<1000x128xf32>, vector<128x64xf32>, vector<1000x64xf32> -> vector<1000x64xf32>
    %get3A_9 = arith.constant 0 : index
    %get3A_10 = arith.constant 0 : index
    %get3A_11 = vector.load %arg3[%get3A_9, %get3A_10] : memref<1x64xf32, #tpu.memory_space<vmem>>, vector<1x64xf32>
    %add3A = vector.broadcast %get3A_11 : vector<1x64xf32> to vector<1000x64xf32>
    %add3A_12 = arith.addf %dot_general3A_8, %add3A : vector<1000x64xf32>
    %swap3A = arith.constant 0 : index
    %swap3A_13 = arith.constant 0 : index
    %swap3A_14 = vector.load %arg4[%swap3A, %swap3A_13] : memref<1000x64xf32, #tpu.memory_space<vmem>>, vector<1000x64xf32>
    tpu.vector_store %arg4[%swap3A, %swap3A_13], %add3A_12 {strides = array<i32>} : memref<1000x64xf32, #tpu.memory_space<vmem>>, vector<1000x64xf32>,
    %dot_general3A_15 = arith.constant dense<0.000000e+00> : vector<1000x64xf32>
    %dot_general3A_16 = tpu.matmul %get3A_1, %get3A_7, %dot_general3A_15 {dimension_numbers = #tpu.dot_dimension_numbers<[1], [0], [0], [1], [0, 0, 1, 1], [], []>, transpose_lhs_hint = false} : vector<1000x128xf32>, vector<128x64xf32>, vector<1000x64xf32> -> vector<1000x64xf32>
    %swap3A_17 = arith.constant 0 : index
    %swap3A_18 = arith.constant 0 : index
    %swap3A_19 = vector.load %arg5[%swap3A_17, %swap3A_18] : memref<1000x64xf32, #tpu.memory_space<vmem>>, vector<1000x64xf32>
    tpu.vector_store %arg5[%swap3A_17, %swap3A_18], %dot_general3A_16 {strides = array<i32>} : memref<1000x64xf32, #tpu.memory_space<vmem>>, vector<1000x64xf32>,
    return
  }
  func.func @transform_0(%arg0: i32) -> (i32, i32) {
    %c0_i32 = arith.constant 0 : i32
    %c0_i32_0 = arith.constant 0 : i32
    return %arg0, %c0_i32 : i32, i32
  }
  func.func @transform_1(%arg0: i32) -> (i32, i32) {
    %c0_i32 = arith.constant 0 : i32
    %c0_i32_0 = arith.constant 0 : i32
    %c0_i32_1 = arith.constant 0 : i32
    return %c0_i32, %c0_i32_0 : i32, i32
  }
  func.func @transform_2(%arg0: i32) -> (i32, i32) {
    %c0_i32 = arith.constant 0 : i32
    %c0_i32_0 = arith.constant 0 : i32
    %c0_i32_1 = arith.constant 0 : i32
    return %c0_i32, %c0_i32_0 : i32, i32
  }
  func.func @transform_3(%arg0: i32) -> (i32, i32) {
    %c0_i32 = arith.constant 0 : i32
    %c0_i32_0 = arith.constant 0 : i32
    return %arg0, %c0_i32 : i32, i32
  }
  func.func @transform_4(%arg0: i32) -> (i32, i32) {
    %c0_i32 = arith.constant 0 : i32
    %c0_i32_0 = arith.constant 0 : i32
    return %arg0, %c0_i32 : i32, i32
  }
}

</mosaic_0001>

<sc_bundles>
// kernel: kernel.4.cloned.1.call-start
scs
__scs_entry_jumppad:
0x0: {  	(pc) =	sbr.rel $0x88, $3  }
0x1: {  	(tag) =	ssettag $0x0;
	lr =	simm.s32 $0x1  }
0x2: {  	[smem:$0x3F99] =	sst lr;
	_ =	strace $0xD0000000  }
0x3: {  	_ = 	snop  }
0x4: {  	_ = 	snop  }
0x5: {  	_ = 	snop  }
0x6: {  	_ = 	snop  }
0x7: {  	_ = 	snop  }
__scs_overlays_trampoline_lowered:
0x8: {  	[smem:$0x3FA8] =	sst s0  }
0x9: {  	[smem:$0x3FA9] =	sst s1  }
0xa: {  	[smem:$0x3FAA] =	sst s2  }
0xb: {  	[smem:$0x3FAB] =	sst s3  }
0xc: {  	[smem:$0x3FAC] =	sst s4  }
0xd: {  	[smem:$0x3FAD] =	sst s5  }
0xe: {  	[smem:$0x3FAE] =	sst s6  }
0xf: {  	[smem:$0x3FAF] =	sst s7  }
0x10: {  	[smem:$0x3FB0] =	sst s8  }
0x11: {  	[smem:$0x3FB1] =	sst s9;
	s0 =	simm.s32 @!p0 $0x0  }
0x12: {  	s1 =	sld [smem:$0x3F97];
	s0 =	simm.s32 @p0 $0x1  }
0x13: {  	[smem:$0x3FB2] =	sst s0;
	s0 =	simm.s32 @!p1 $0x0  }
0x14: {  	s2 =	sld [smem:$0x3F96];
	s0 =	simm.s32 @p1 $0x1  }
0x15: {  	[smem:$0x3FB3] =	sst s0;
	s0 =	simm.s32 @!p2 $0x0  }
0x16: {  	s3 =	sld [smem:$0x3FDB];
	s0 =	simm.s32 @p2 $0x1  }
0x17: {  	s4 =	simm.s32 $0x1BF5;
	[smem:$0x3FB5] =	sst s0  }
0x18: {  	s0 =	sld [smem:$0x3F98];
	_ =	swait.ge [sflag:s4], $0x0  }
0x19: {  	s7 =	sld [smem:$0x3F99]  }
0x1a: {  	s8 =	sadd.s32 $0xFFFFE003, lr  }
0x1b: {  	s9 =	sadd.s32 $0xFFFFFEF7, lr;
	s5 =	simm.s32 $0xFFFFFFFF;
	p2 =	slt.u32 s8, $0xFFFFF086  }
0x1c: {  	p1 =	slt.u32 s9, $0xF7A;
	s5 =	simm.s32 @!p2 $0x0  }
0x1d: {  	s5 =	simm.s32 @p1 $0x1;
	p0 =	seq.s32 s7, s2  }
0x1e: {  	s7 =	smul.u32 @!p0 $0xF7A, s2;
	p2 =	seq.s32 @!p0 s5, $0x0  }
0x1f: {  	s9 =	smul.u32 $0xF7A, s1;
	s8 =	simm.s32 @!p0 $0x1BF5;
	p2 =	por !p2, p0  }
0x20: {  	[sflag:s8] =	ssyncset.s32 @!p0 $0xFFFFF086;
	s6 =	sadd.s32 @!p0 s3, s7;
	s7 =	simm.s32 @!p0 $0x108  }
0x21: {  	s3 =	sadd.s32 s3, s9;
	s6 =	sadd.s32 @!p0 $0x88, s6;
	s7 =	simm.s32 @p2 $0x1082  }
0x22: {  	[simem:s7], [sflag:s8] =	dma.local @!p0 [hbm:s6], $0xF7A  }
0x23: {  	s9 =	sor.u32 $0xD0000000, s2;
	s6 =	simm.s32 $0x108;
	_ =	swait.ge @!p0 [sflag:s8], $0x0  }
0x24: {  	s3 =	sadd.s32 $0x88, s3;
	s6 =	simm.s32 @!p1 $0x1082;
	[sflag:s4] =	ssyncset.s32 $0xFFFFF086  }
0x25: {  	[simem:s6], [sflag:s4] =	dma.local [hbm:s3], $0xF7A  }
0x26: {  	[smem:$0x3F99] =	sst s1;
	(tag) =	ssettag s2;
	_ =	strace s9  }
0x27: {  	s1 =	sld [smem:$0x3FA9]  }
0x28: {  	s2 =	sld [smem:$0x3FAA]  }
0x29: {  	s4 =	sld [smem:$0x3FAC]  }
0x2a: {  	p0 =	seq.s32 s5, $0x0;
	s5 =	sld [smem:$0x3FAD]  }
0x2b: {  	s6 =	sld [smem:$0x3FAE]  }
0x2c: {  	s7 =	sld [smem:$0x3FAF]  }
0x2d: {  	s3 =	simm.s32 $0x108;
	s8 =	sld [smem:$0x3FB0]  }
0x2e: {  	s3 =	simm.s32 @!p0 $0x1082;
	s9 =	sld [smem:$0x3FB1]  }
0x2f: {  	lr =	sadd.s32 s0, s3;
	s0 =	sld [smem:$0x3FA8]  }
0x30: {  	s3 =	sld [smem:$0x3FAB]  }
0x31: {  	[smem:$0x3FB4] =	sst s10  }
0x32: {  	s10 =	sld [smem:$0x3FB2];
	_ =	sdelay $0x3  }
0x33: {  	p0 =	seq.s32 s10, $0x1;
	s10 =	sld [smem:$0x3FB4];
	_ =	sdelay $0x3  }
0x34: {  	[smem:$0x3FB4] =	sst s10  }
0x35: {  	s10 =	sld [smem:$0x3FB3];
	_ =	sdelay $0x3  }
0x36: {  	p1 =	seq.s32 s10, $0x1;
	s10 =	sld [smem:$0x3FB4];
	_ =	sdelay $0x3  }
0x37: {  	[smem:$0x3FB4] =	sst s10  }
0x38: {  	s10 =	sld [smem:$0x3FB5]  }
0x39: {  	_ = 	snop;
	(pc) =	sbr.ind lr, $3  }
0x3a: {  	_ = 	snop  }
0x3b: {  	_ = 	snop  }
0x3c: {  	p2 =	seq.s32 s10, $0x1;
	s10 =	sld [smem:$0x3FB4]  }
0x3d: {  	_ =	shalt  }
0x3e: {  	_ =	shalt  }
0x3f: {  	_ =	shalt  }
0x40: {  	_ =	shalt  }
0x41: {  	_ =	shalt  }
0x42: {  	_ =	shalt  }
0x43: {  	_ =	shalt  }
0x44: {  	_ =	shalt  }
0x45: {  	_ =	shalt  }
0x46: {  	_ =	shalt  }
0x47: {  	_ =	shalt  }
0x48: {  	_ =	shalt  }
0x49: {  	_ =	shalt  }
0x4a: {  	_ =	shalt  }
0x4b: {  	_ =	shalt  }
0x4c: {  	_ =	shalt  }
0x4d: {  	_ =	shalt  }
0x4e: {  	_ =	shalt  }
0x4f: {  	_ =	shalt  }
0x50: {  	_ =	shalt  }
0x51: {  	_ =	shalt  }
0x52: {  	_ =	shalt  }
0x53: {  	_ =	shalt  }
0x54: {  	_ =	shalt  }
0x55: {  	_ =	shalt  }
0x56: {  	_ =	shalt  }
0x57: {  	_ =	shalt  }
0x58: {  	_ =	shalt  }
0x59: {  	_ =	shalt  }
0x5a: {  	_ =	shalt  }
0x5b: {  	_ =	shalt  }
0x5c: {  	_ =	shalt  }
0x5d: {  	_ =	shalt  }
0x5e: {  	_ =	shalt  }
0x5f: {  	_ =	shalt  }
0x60: {  	_ =	shalt  }
0x61: {  	_ =	shalt  }
0x62: {  	_ =	shalt  }
0x63: {  	_ =	shalt  }
0x64: {  	_ =	shalt  }
0x65: {  	_ =	shalt  }
0x66: {  	_ =	shalt  }
0x67: {  	_ =	shalt  }
0x68: {  	_ =	shalt  }
0x69: {  	_ =	shalt  }
0x6a: {  	_ =	shalt  }
0x6b: {  	_ =	shalt  }
0x6c: {  	_ =	shalt  }
0x6d: {  	_ =	shalt  }
0x6e: {  	_ =	shalt  }
0x6f: {  	_ =	shalt  }
0x70: {  	_ =	shalt  }
0x71: {  	_ =	shalt  }
0x72: {  	_ =	shalt  }
0x73: {  	_ =	shalt  }
0x74: {  	_ =	shalt  }
0x75: {  	_ =	shalt  }
0x76: {  	_ =	shalt  }
0x77: {  	_ =	shalt  }
0x78: {  	_ =	shalt  }
0x79: {  	_ =	shalt  }
0x7a: {  	_ =	shalt  }
0x7b: {  	_ =	shalt  }
0x7c: {  	_ =	shalt  }
0x7d: {  	_ =	shalt  }
0x7e: {  	_ =	shalt  }
0x7f: {  	_ =	shalt  }
0x80: {  	_ =	shalt  }
0x81: {  	_ =	shalt  }
0x82: {  	_ =	shalt  }
0x83: {  	_ =	shalt  }
0x84: {  	_ =	shalt  }
0x85: {  	_ =	shalt  }
0x86: {  	_ =	shalt  }
0x87: {  	_ =	shalt  }
.Lfunc_end0:
.L_simem_size_0:
called_computation_lowered:
.L_overlay_start_0:
0x88: {  	s2 =	sld [smem:$0x3FD9]  }
0x89: {  	s3 =	sld [smem:$0x3FFE];
	_ =	sdelay $0x1  }
0x8a: {  	s1 =	srdreg.scid  }
0x8b: {  	s0 =	sand.u32 $0x1, s1  }
0x8c: {  	s14 =	sshll.u32 s0, $0xA;
	s2 =	sadd.s32 s3, s2  }
0x8d: {  	s2 =	sadd.s32 s2, s14  }
0x8e: {  	[smem:$0x3FC0] =	sst s2  }
0x8f: {  	_ = 	snop  }
0x90: {  	s2 =	sld [smem:$0x3FD0];
	_ =	sdelay $0x2  }
0x91: {  	s15 =	simm.s32 $0xA;
	s4 =	simm.s32 $0x10  }
0x92: {  	[smem:s4], [sflag:s15] =	dma.local [hbm:s2], $0x1  }
0x93: {  	_ =	swait.eq [sflag:s15], $0x1  }
0x94: {  	[sflag:s15] =	ssyncset.done $0x0  }
0x95: {  	s16 =	sld [smem:$0x10];
	[sflag:s15] =	ssyncadd.s32 $0xFFFFFFFF  }
0x96: {  	s17 =	sld [smem:$0x13];
	(tm) =	ssettm $0x1  }
0x97: {  	s18 =	sld [smem:$0x3FFB];
	_ =	sdelay $0x3  }
0x98: {  	_ =	strace s18  }
0x99: {  	s4 =	sld [smem:$0x3FFC];
	_ =	sdelay $0x3  }
0x9a: {  	_ =	strace s4  }
0x9b: {  	s4 =	sld [smem:$0x3FFD];
	_ =	sdelay $0x3  }
0x9c: {  	_ =	strace s4  }
0x9d: {  	_ =	strace $0x8FFFFFFF  }
0x9e: {  	s19 =	sld [smem:$0x3FDB];
	_ =	sdelay $0x1  }
0x9f: {  	s5 =	simm.s32 $_scs_section_size  }
0xa0: {  	s6 =	simm.s32 $_size__tile_overlayer_lowered;
	s7 =	simm.s32 $_tile_overlayer_lowered  }
0xa1: {  	s22 =	simm.s32 $0x1BFF;
	s21 =	sshll.u32 s7, $0x1;
	s4 =	sadd.s32 s5, s19  }
0xa2: {  	s8 =	simm.s32 $0x0;
	s20 =	sshll.u32 s6, $0x1;
	s6 =	sadd.s32 s21, s4  }
0xa3: {  	[timem:s8], [sflag:s22] =	dma.local [hbm:s6], s20  }
0xa4: {  	_ =	swait.ge [sflag:s22], s20  }
0xa5: {  	s5 =	ssub.s32 $0x0, s20;
	[sflag:s22] =	ssyncset.done $0x0  }
0xa6: {  	[sflag:s22] =	ssyncadd.s32 s5;
	_ =	sdelay $0x1  }
0xa7: {  	s23 =	simm.s32 $0x1B8B  }
0xa8: {  	_ =	swait.ge [sflag:s23], $0x1  }
0xa9: {  	[sflag:s23] =	ssyncset.done $0x0  }
0xaa: {  	s25 =	simm.s32 $0x1B8E;
	s24 =	sld [smem:$0x3FFE];
	[sflag:s23] =	ssyncadd.s32 $0xFFFFFFFF  }
0xab: {  	s26 =	simm.s32 $execute0_lowered;
	[smem:$0x3FD2] =	sst s25  }
0xac: {  	s6 =	sshll.u32 s26, $0x1;
	_ =	strace $0x80000046;
	[dreg:$0x1] =	wrdreg $0xFFFFFFFF  }
0xad: {  	s28 =	simm.s32 $_size_execute0_lowered;
	s4 =	sadd.s32 s4, s6;
	[dreg:$0x0] =	wrdreg $0x0  }
0xae: {  	s6 =	sshll.u32 s28, $0x1;
	[dreg:$0x2] =	wrdreg s4  }
0xaf: {  	[dreg:$0x3] =	wrdreg s6  }
0xb0: {  	[dreg:$0x4] =	wrdreg $0xC0  }
0xb1: {  	_ =	task [dreg:s8], $0x5FFFF  }
0xb2: {  	[dreg:$0x1] =	wrdreg $0xFFFFFFFF  }
0xb3: {  	[dreg:$0x0] =	wrdreg $0x60  }
0xb4: {  	[dreg:$0x2] =	wrdreg s24  }
0xb5: {  	[dreg:$0x3] =	wrdreg s16  }
0xb6: {  	[dreg:$0x4] =	wrdreg s17  }
0xb7: {  	[dreg:$0x5] =	wrdreg $0x9  }
0xb8: {  	_ =	task.clear_ibuf [dreg:s8], $0x6FFFF;
	_ =	strace $0x90000046  }
0xb9: {  	s29 =	simm.s32 $0x9;
	_ =	strace $0x80000048  }
0xba: {  	_ =	swait.ge [sflag:s29], $0x1  }
0xbb: {  	[sflag:s29] =	ssyncadd.s32 $0xFFFFFFFF  }
0xbc: {  	_ =	strace $0x90000048  }
0xbd: {  	_ =	sfence  }
0xbe: {  	s30 =	sld [smem:$0x0];
	_ =	sdelay $0x2  }
0xbf: {  	s31 =	sshll.u32 s1, $0xD;
	s1 =	sshrl.u32 s1, $0x2  }
0xc0: {  	s3 =	sand.u32 $0x4000, s31;
	s1 =	sadd.s32 s1, s30  }
0xc1: {  	s0 =	sor.u32 s3, s0;
	s1 =	sshll.u32 s1, $0x11  }
0xc2: {  	s0 =	sor.u32 s1, s0  }
0xc3: {  	s0 =	sadd.s32 $0x8F2B, s0  }
0xc4: {  	[sflag:s0] =	ssyncadd.remote.s32 $0x1  }
0xc5: {  	_ =	sfence.sel $0xFFFF  }
0xc6: {  	[dreg:$0x0] =	wrdreg $0xFFFFFFFF;
	(pc) =	sbr.abs _section_cstart, $3  }
0xc7: {  	[dreg:$0x1] =	wrdreg $0xFFFFFFFF  }
0xc8: {  	_ =	task.clear_ibuf [dreg:s8], $0x2FFFF;
	_ =	strace $0x9FFFFFFF  }
0xc9: {  	(tm) =	ssettm $0x7FFFFFFF  }
tec
execute0_lowered:
.L_overlay_start_1:
0x0: {  	(tag) =	ssettag $0x1  }
0x1: {  	s8 =	rddreg [dreg:$0x0]  }
0x2: {  	s9 =	rddreg [dreg:$0x1];
	s1 =	srdreg.scid  }
0x3: {  	s0 =	stileid.u32;
	s2 =	rddreg [dreg:$0x2]  }
0x4: {  	s3 =	simm.s32 $0x0;
	s16 =	simm.s32 $0x7080;
	s17 =	simm.s32 $0x80  }
0x5: {  	s18 =	simm.s32 $0x5000;
	s19 =	simm.s32 $0x1;
	s20 =	simm.s32 $0x7000  }
0x6: {  	s21 =	simm.s32 $0x70C0;
	s7 =	sand.u32 $0x1, s1;
	s1 =	rddreg [dreg:$0x3]  }
0x7: {  	s22 =	simm.s32 $0x0;
	s4 =	sshll.u32 s0, $0x1;
	[smem:$0x7FF] =	sst s3  }
0x8: {  	s5 =	sadd.s32 $0xA00, s8;
	s6 =	sadd.s32 $0x14400, s8;
	s10 =	sor.u32 s7, s4  }
0x9: {  	_ =	strace $0x80000047;
	s12 =	ssub.s32 $0x2, s7;
	s4 =	smul.u32 $0x1400, s10  }
0xa: {  	s7 =	sadd.s32 $0x36E00, s8;
	s10 =	sshll.u32 s10, $0x1;
	s14 =	sshrl.u32 s12, $0x1  }
0xb: {  	s15 =	sadd.s32 s10, s8;
	s14 =	ssub.s32 s12, s14;
	s11 =	sshrl.u32 s4, $0x3  }
0xc: {  	s12 =	sadd.s32 $0x3BE00, s15;
	s15 =	simm.s32 $0x1400;
	s13 =	sadd.s32 s11, s8  }
0xd: {  	v0 =	vlaneseq.u32;
	s8 =	sadd.s32 s9, s11;
	s9 =	sadd.s32 $0x27E00, s13;
	s10 =	sadd.s32 $0x2CE00, s13  }
0xe: {  	v4 =	vmul.u32 $0x40, v0;
	s11 =	sadd.s32 $0x31E00, s13;
	s13 =	smax.u32 s14, $0x1;
	s14 =	simm.s32 $0x2  }
.LBB2_1:
0xf: {  	[tilespmem:s3], [sflag:$0x2] =	stream.linear.gather [hbm4b:s8+s3], $0x1400, $0x38;
	[tilespmem:$0x70D0] =	vst v63  }
0x10: {  	_ =	swait.ge [sflag:s14], $0x1400  }
0x11: {  	[sflag:s14] =	ssyncset.done $0x0  }
0x12: {  	[sflag:s14] =	ssyncadd.s32 $0xFFFFEC00  }
0x13: {  	[tilespmem:s15], [sflag:$0x2] =	stream.linear.gather [hbm4b:s9+s3], $0x1400, $0x38;
	[tilespmem:$0x70D0] =	vst v63  }
0x14: {  	_ =	swait.ge [sflag:s14], $0x1400  }
0x15: {  	[sflag:s14] =	ssyncset.done $0x0  }
0x16: {  	s23 =	simm.s32 $0x2800;
	[sflag:s14] =	ssyncadd.s32 $0xFFFFEC00  }
0x17: {  	[tilespmem:s23], [sflag:$0x2] =	stream.linear.gather [hbm4b:s10+s3], $0x1400, $0x38;
	[tilespmem:$0x70D0] =	vst v63  }
0x18: {  	_ =	swait.ge [sflag:s14], $0x1400  }
0x19: {  	[sflag:s14] =	ssyncset.done $0x0  }
0x1a: {  	s24 =	simm.s32 $0x3C00;
	[sflag:s14] =	ssyncadd.s32 $0xFFFFEC00  }
0x1b: {  	[tilespmem:s24], [sflag:$0x2] =	stream.linear.gather [hbm4b:s11+s3], $0x1400, $0x38;
	[tilespmem:$0x70D0] =	vst v63  }
0x1c: {  	_ =	swait.ge [sflag:s14], $0x1400  }
0x1d: {  	[sflag:s14] =	ssyncset.done $0x0  }
0x1e: {  	[sflag:s14] =	ssyncadd.s32 $0xFFFFEC00  }
0x1f: {  	[tilespmem:s16], [sflag:$0x2] =	stream.linear.gather [hbm4b:s2+s3], $0x40, $0x38;
	[tilespmem:$0x70D0] =	vst v63  }
0x20: {  	_ =	swait.ge [sflag:s14], $0x40  }
0x21: {  	[sflag:s14] =	ssyncset.done $0x0  }
0x22: {  	[sflag:s14] =	ssyncadd.s32 $0xFFFFFFC0  }
0x23: {  	v0 =	vld [tilespmem:$0x7080];
	_ =	sdelay $0x4  }
0x24: {  	v1 =	vbroadcast v0, $0x0  }
0x25: {  	v2 =	vbroadcast v0, $0x6  }
0x26: {  	[tilespmem:$0x1FE80] =	vst v1;
	v1 =	vbroadcast v0, $0x1  }
0x27: {  	[tilespmem:$0x1FEE0] =	vst v2;
	v2 =	vbroadcast v0, $0x7  }
0x28: {  	[tilespmem:$0x1FE90] =	vst v1;
	v1 =	vbroadcast v0, $0x2  }
0x29: {  	[tilespmem:$0x1FEF0] =	vst v2;
	v2 =	vbroadcast v0, $0x8  }
0x2a: {  	v15 =	vbroadcast v0, $0xB;
	[tilespmem:$0x1FEA0] =	vst v1;
	v1 =	vbroadcast v0, $0x3  }
0x2b: {  	v19 =	vbroadcast v0, $0xC;
	[tilespmem:$0x1FF00] =	vst v2;
	v2 =	vbroadcast v0, $0x9  }
0x2c: {  	v13 =	vbroadcast v0, $0xD;
	[tilespmem:$0x1FEB0] =	vst v1;
	v1 =	vbroadcast v0, $0x4  }
0x2d: {  	v20 =	vbroadcast v0, $0xE;
	v21 =	vbroadcast v0, $0xF;
	[tilespmem:$0x1FF10] =	vst v2  }
0x2e: {  	v2 =	vbroadcast v0, $0xA;
	[tilespmem:$0x1FEC0] =	vst v1;
	v1 =	vbroadcast v0, $0x5;
	v0 =	vld [tilespmem:$0x70A0];
	_ =	sdelay $0x3  }
0x2f: {  	[tilespmem:$0x1FED0] =	vst v1;
	v1 =	vld [tilespmem:$0x7090]  }
0x30: {  	v33 =	vbroadcast v0, $0x0;
	v34 =	vbroadcast v0, $0x1  }
0x31: {  	v35 =	vbroadcast v0, $0x2;
	v36 =	vbroadcast v0, $0x3  }
0x32: {  	v37 =	vbroadcast v0, $0x4;
	v38 =	vbroadcast v0, $0x5  }
0x33: {  	v39 =	vbroadcast v0, $0x6;
	v40 =	vbroadcast v0, $0x7  }
0x34: {  	v16 =	vbroadcast v1, $0x0;
	v22 =	vbroadcast v1, $0x1  }
0x35: {  	v14 =	vbroadcast v1, $0x2;
	v17 =	vbroadcast v1, $0x3  }
0x36: {  	v23 =	vbroadcast v1, $0x4;
	v12 =	vbroadcast v1, $0x5  }
0x37: {  	v24 =	vbroadcast v1, $0x6;
	v18 =	vbroadcast v1, $0x7  }
0x38: {  	v25 =	vbroadcast v1, $0x8;
	v26 =	vbroadcast v1, $0x9  }
0x39: {  	v27 =	vbroadcast v1, $0xA;
	v28 =	vbroadcast v1, $0xB  }
0x3a: {  	[tilespmem:$0x1FF30] =	vst v15;
	v29 =	vbroadcast v1, $0xC;
	v30 =	vbroadcast v1, $0xD  }
0x3b: {  	[tilespmem:$0x1FF40] =	vst v13;
	v31 =	vbroadcast v1, $0xE;
	v32 =	vbroadcast v1, $0xF;
	v1 =	vld [tilespmem:$0x70B0]  }
0x3c: {  	[tilespmem:$0x1FF50] =	vst v20;
	v41 =	vbroadcast v0, $0x8;
	v42 =	vbroadcast v0, $0x9  }
0x3d: {  	[tilespmem:$0x1FF60] =	vst v19;
	v43 =	vbroadcast v0, $0xA;
	v44 =	vbroadcast v0, $0xB  }
0x3e: {  	[tilespmem:$0x1FF90] =	vst v21;
	v45 =	vbroadcast v0, $0xC;
	v46 =	vbroadcast v0, $0xD  }
0x3f: {  	[tilespmem:$0x1FF20] =	vst v2;
	v47 =	vbroadcast v0, $0xE;
	v48 =	vbroadcast v0, $0xF  }
0x40: {  	[tilespmem:$0x1FF70] =	vst v16;
	v49 =	vbroadcast v1, $0x0;
	v50 =	vbroadcast v1, $0x1  }
0x41: {  	[tilespmem:$0x1FF80] =	vst v22;
	v51 =	vbroadcast v1, $0x2;
	v52 =	vbroadcast v1, $0x3  }
0x42: {  	[tilespmem:$0x1FFA0] =	vst v17;
	v53 =	vbroadcast v1, $0x4;
	v54 =	vbroadcast v1, $0x5  }
0x43: {  	[tilespmem:$0x1FFB0] =	vst v23;
	v55 =	vbroadcast v1, $0x6;
	v56 =	vbroadcast v1, $0x7  }
0x44: {  	[tilespmem:$0x1FFC0] =	vst v14;
	v57 =	vbroadcast v1, $0x8;
	v58 =	vbroadcast v1, $0x9  }
0x45: {  	[tilespmem:$0x1FFD0] =	vst v24;
	v59 =	vbroadcast v1, $0xA;
	v60 =	vbroadcast v1, $0xB  }
0x46: {  	[tilespmem:$0x1FFE0] =	vst v12;
	v61 =	vbroadcast v1, $0xC;
	v62 =	vbroadcast v1, $0xD  }
0x47: {  	s25 =	simm.s32 $0x0;
	[tilespmem:$0x1FFF0] =	vst v18;
	v63 =	vbroadcast v1, $0xE;
	v0 =	vbroadcast v1, $0xF;
	v1 =	vimm.f32 $0.0e+00  }
.LBB2_2:
0x48: {  	[tilespmem:$0x1FE70] =	vst v1;
	s26 =	sshll.u32 s25, $0x7;
	s28 =	simm.s32 $0x0  }
0x49: {  	[tilespmem:s18], [sflag:$0x1] =	stream.indirect.gather [hbm4b:s5+s17], $0x40, s26, s17, $0xb8;
	[tilespmem:$0x70D0] =	vst v63  }
0x4a: {  	v1 =	vmov s28;
	_ =	swait.ge [sflag:s19], $0x2000  }
0x4b: {  	v1 =	vshll.u32 v1, $0x6;
	[sflag:s19] =	ssyncset.done $0x0  }
0x4c: {  	s28 =	sadd.s32 $0x1400, s26;
	v2 =	vor.u32 v4, v1;
	[sflag:s19] =	ssyncadd.s32 $0xFFFFE000  }
0x4d: {  	v3 =	vor.u32 $0x2, v2;
	[tilespmem:s18], [sflag:$0x1] =	stream.indirect.gather.add.f32 [hbm:s6], $0x40, s28, s17, $0xb8;
	[tilespmem:$0x70D0] =	vst v63  }
0x4e: {  	_ =	swait.ge [sflag:s19], $0x2000  }
0x4f: {  	[sflag:s19] =	ssyncset.done $0x0  }
0x50: {  	[sflag:s19] =	ssyncadd.s32 $0xFFFFE000  }
0x51: {  	v6 =	vld.idx.msk [tilespmem:v2+s18+$0x0], $0xffff  }
0x52: {  	v1 =	vor.u32 $0x1, v2;
	v9 =	vld.idx.msk [tilespmem:v3+s18+$0x0], $0xffff  }
0x53: {  	v3 =	vld [tilespmem:$0x1FE80];
	_ =	sdelay $0x3  }
0x54: {  	v5 =	vld.idx.msk [tilespmem:v1+s18+$0x0], $0xffff;
	v1 =	vmax.f32 v6, $0.0e+00  }
0x55: {  	v3 =	vmul.f32 v1, v3;
	_ =	sdelay $0x1  }
0x56: {  	v11 =	vadd.f32 $0.0e+00, v3;
	v3 =	vld [tilespmem:$0x1FE90];
	_ =	sdelay $0x3  }
0x57: {  	v7 =	vor.u32 $0x3, v2;
	v1 =	vmax.f32 v5, $0.0e+00  }
0x58: {  	v3 =	vmul.f32 v1, v3;
	_ =	sdelay $0x1  }
0x59: {  	v1 =	vmax.f32 v9, $0.0e+00;
	v9 =	vadd.f32 v3, v11;
	v3 =	vld [tilespmem:$0x1FEA0];
	_ =	sdelay $0x1  }
0x5a: {  	v6 =	vld.idx.msk [tilespmem:v7+s18+$0x0], $0xffff;
	_ =	sdelay $0x2  }
0x5b: {  	v3 =	vmul.f32 v1, v3  }
0x5c: {  	v1 =	vor.u32 $0x8, v2  }
0x5d: {  	[tilespmem:$0x1F6D0] =	vst v1;
	v1 =	vmax.f32 v6, $0.0e+00;
	v6 =	vadd.f32 v3, v9;
	v3 =	vld [tilespmem:$0x1FEB0];
	_ =	sdelay $0x2  }
0x5e: {  	v10 =	vor.u32 $0x5, v2  }
0x5f: {  	v8 =	vor.u32 $0x4, v2  }
0x60: {  	v3 =	vmul.f32 v1, v3;
	_ =	sdelay $0x1  }
0x61: {  	v3 =	vadd.f32 v3, v6;
	v6 =	vld [tilespmem:$0x1F6D0]  }
0x62: {  	v10 =	vld.idx.msk [tilespmem:v10+s18+$0x0], $0xffff  }
0x63: {  	v5 =	vld.idx.msk [tilespmem:v8+s18+$0x0], $0xffff  }
0x64: {  	[tilespmem:$0x1F6E0] =	vst v3;
	v3 =	vld [tilespmem:$0x1FEC0];
	_ =	sdelay $0x3  }
0x65: {  	v1 =	vmax.f32 v5, $0.0e+00  }
0x66: {  	v3 =	vmul.f32 v1, v3;
	v1 =	vmax.f32 v10, $0.0e+00;
	v10 =	vld.idx.msk [tilespmem:v6+s18+$0x0], $0xffff  }
0x67: {  	v6 =	vld [tilespmem:$0x1F6E0]  }
0x68: {  	v7 =	vor.u32 $0x6, v2;
	_ =	sdelay $0x3  }
0x69: {  	v3 =	vadd.f32 v3, v6  }
0x6a: {  	v11 =	vld.idx.msk [tilespmem:v7+s18+$0x0], $0xffff  }
0x6b: {  	v7 =	vor.u32 $0x9, v2;
	[tilespmem:$0x1F6F0] =	vst v3;
	v3 =	vld [tilespmem:$0x1FED0];
	_ =	sdelay $0x4  }
0x6c: {  	v3 =	vmul.f32 v1, v3;
	v1 =	vmax.f32 v11, $0.0e+00;
	v11 =	vld.idx.msk [tilespmem:v7+s18+$0x0], $0xffff  }
0x6d: {  	v7 =	vld [tilespmem:$0x1F6F0]  }
0x6e: {  	v8 =	vor.u32 $0x7, v2;
	_ =	sdelay $0x3  }
0x6f: {  	v3 =	vadd.f32 v3, v7  }
0x70: {  	v5 =	vld.idx.msk [tilespmem:v8+s18+$0x0], $0xffff  }
0x71: {  	v8 =	vor.u32 $0xA, v2;
	[tilespmem:$0x1F700] =	vst v3;
	v3 =	vld [tilespmem:$0x1FEE0];
	_ =	sdelay $0x4  }
0x72: {  	v1 =	vmul.f32 v1, v3;
	v3 =	vmax.f32 v5, $0.0e+00;
	v5 =	vld.idx.msk [tilespmem:v8+s18+$0x0], $0xffff;
	_ =	sdelay $0x4  }
0x73: {  	[tilespmem:$0x1F750] =	vst v5;
	v5 =	vld [tilespmem:$0x1F700];
	_ =	sdelay $0x4  }
0x74: {  	v1 =	vadd.f32 v1, v5;
	_ =	sdelay $0x1  }
0x75: {  	[tilespmem:$0x1F720] =	vst v1;
	v1 =	vld [tilespmem:$0x1FEF0];
	_ =	sdelay $0x3  }
0x76: {  	[tilespmem:$0x1F710] =	vst v10  }
0x77: {  	v6 =	vor.u32 $0xB, v2;
	v5 =	vmul.f32 v3, v1;
	v1 =	vld [tilespmem:$0x1F710];
	_ =	sdelay $0x4  }
0x78: {  	v3 =	vmax.f32 v1, $0.0e+00;
	v1 =	vld.idx.msk [tilespmem:v6+s18+$0x0], $0xffff;
	_ =	sdelay $0x4  }
0x79: {  	v7 =	vor.u32 $0xC, v2;
	[tilespmem:$0x1F770] =	vst v1;
	v1 =	vld [tilespmem:$0x1F720];
	_ =	sdelay $0x4  }
0x7a: {  	v1 =	vadd.f32 v5, v1;
	v5 =	vld.idx.msk [tilespmem:v7+s18+$0x0], $0xffff;
	_ =	sdelay $0x2  }
0x7b: {  	[tilespmem:$0x1F740] =	vst v1;
	v1 =	vld [tilespmem:$0x1FF00];
	_ =	sdelay $0x1  }
0x7c: {  	v8 =	vor.u32 $0xD, v2;
	[tilespmem:$0x1F790] =	vst v5;
	v5 =	vld [tilespmem:$0x1F740];
	_ =	sdelay $0x2  }
0x7d: {  	v3 =	vmul.f32 v3, v1;
	_ =	sdelay $0x1  }
0x7e: {  	v3 =	vadd.f32 v3, v5;
	v5 =	vld.idx.msk [tilespmem:v8+s18+$0x0], $0xffff  }
0x7f: {  	[tilespmem:$0x1F730] =	vst v11  }
0x80: {  	v1 =	vld [tilespmem:$0x1F730]  }
0x81: {  	[tilespmem:$0x1F760] =	vst v3;
	v3 =	vld [tilespmem:$0x1FF10];
	_ =	sdelay $0x1  }
0x82: {  	[tilespmem:$0x1F7B0] =	vst v5;
	v5 =	vld [tilespmem:$0x1F760];
	_ =	sdelay $0x1  }
0x83: {  	v1 =	vmax.f32 v1, $0.0e+00  }
0x84: {  	v1 =	vmul.f32 v1, v3;
	_ =	sdelay $0x1  }
0x85: {  	v1 =	vadd.f32 v1, v5  }
0x86: {  	v3 =	vld [tilespmem:$0x1F750]  }
0x87: {  	[tilespmem:$0x1F780] =	vst v1;
	v1 =	vld [tilespmem:$0x1FF20];
	_ =	sdelay $0x3  }
0x88: {  	v3 =	vmax.f32 v3, $0.0e+00  }
0x89: {  	v6 =	vor.u32 $0xE, v2;
	v5 =	vmul.f32 v3, v1;
	v1 =	vld [tilespmem:$0x1F770];
	_ =	sdelay $0x4  }
0x8a: {  	v3 =	vmax.f32 v1, $0.0e+00;
	v1 =	vld.idx.msk [tilespmem:v6+s18+$0x0], $0xffff;
	_ =	sdelay $0x4  }
0x8b: {  	v7 =	vor.u32 $0xF, v2;
	[tilespmem:$0x1F7D0] =	vst v1;
	v1 =	vld [tilespmem:$0x1F780];
	_ =	sdelay $0x4  }
0x8c: {  	v1 =	vadd.f32 v5, v1;
	v5 =	vld.idx.msk [tilespmem:v7+s18+$0x0], $0xffff;
	_ =	sdelay $0x3  }
0x8d: {  	[tilespmem:$0x1F7A0] =	vst v1  }
0x8e: {  	v8 =	vor.u32 $0x10, v2;
	[tilespmem:$0x1F7F0] =	vst v5;
	v5 =	vld [tilespmem:$0x1F7A0];
	_ =	sdelay $0x2  }
0x8f: {  	v3 =	vmul.f32 v3, v15;
	_ =	sdelay $0x1  }
0x90: {  	v3 =	vadd.f32 v3, v5;
	v5 =	vld.idx.msk [tilespmem:v8+s18+$0x0], $0xffff;
	_ =	sdelay $0x1  }
0x91: {  	v1 =	vld [tilespmem:$0x1F790];
	_ =	sdelay $0x1  }
0x92: {  	[tilespmem:$0x1F7C0] =	vst v3  }
0x93: {  	[tilespmem:$0x1F810] =	vst v5;
	v5 =	vld [tilespmem:$0x1F7C0];
	_ =	sdelay $0x1  }
0x94: {  	v1 =	vmax.f32 v1, $0.0e+00  }
0x95: {  	v1 =	vmul.f32 v1, v19;
	_ =	sdelay $0x1  }
0x96: {  	v1 =	vadd.f32 v1, v5  }
0x97: {  	v3 =	vld [tilespmem:$0x1F7B0]  }
0x98: {  	v6 =	vor.u32 $0x11, v2;
	[tilespmem:$0x1F7E0] =	vst v1;
	v1 =	vld [tilespmem:$0x1F7D0];
	_ =	sdelay $0x3  }
0x99: {  	v3 =	vmax.f32 v3, $0.0e+00  }
0x9a: {  	v5 =	vmul.f32 v3, v13;
	v3 =	vmax.f32 v1, $0.0e+00;
	v1 =	vld.idx.msk [tilespmem:v6+s18+$0x0], $0xffff;
	_ =	sdelay $0x4  }
0x9b: {  	v7 =	vor.u32 $0x12, v2;
	[tilespmem:$0x1F830] =	vst v1;
	v1 =	vld [tilespmem:$0x1F7E0];
	_ =	sdelay $0x4  }
0x9c: {  	v1 =	vadd.f32 v5, v1;
	v5 =	vld.idx.msk [tilespmem:v7+s18+$0x0], $0xffff;
	_ =	sdelay $0x3  }
0x9d: {  	[tilespmem:$0x1F800] =	vst v1  }
0x9e: {  	v8 =	vor.u32 $0x13, v2;
	[tilespmem:$0x1F850] =	vst v5;
	v5 =	vld [tilespmem:$0x1F800];
	_ =	sdelay $0x2  }
0x9f: {  	v3 =	vmul.f32 v3, v20;
	_ =	sdelay $0x1  }
0xa0: {  	v3 =	vadd.f32 v3, v5;
	v5 =	vld.idx.msk [tilespmem:v8+s18+$0x0], $0xffff;
	_ =	sdelay $0x1  }
0xa1: {  	v1 =	vld [tilespmem:$0x1F7F0];
	_ =	sdelay $0x1  }
0xa2: {  	[tilespmem:$0x1F820] =	vst v3  }
0xa3: {  	[tilespmem:$0x1F870] =	vst v5;
	v5 =	vld [tilespmem:$0x1F820];
	_ =	sdelay $0x1  }
0xa4: {  	v1 =	vmax.f32 v1, $0.0e+00  }
0xa5: {  	v1 =	vmul.f32 v1, v21;
	_ =	sdelay $0x1  }
0xa6: {  	v1 =	vadd.f32 v1, v5  }
0xa7: {  	v3 =	vld [tilespmem:$0x1F810]  }
0xa8: {  	v6 =	vor.u32 $0x14, v2;
	[tilespmem:$0x1F840] =	vst v1;
	v1 =	vld [tilespmem:$0x1F830];
	_ =	sdelay $0x3  }
0xa9: {  	v3 =	vmax.f32 v3, $0.0e+00  }
0xaa: {  	v5 =	vmul.f32 v3, v16;
	v3 =	vmax.f32 v1, $0.0e+00;
	v1 =	vld.idx.msk [tilespmem:v6+s18+$0x0], $0xffff;
	_ =	sdelay $0x4  }
0xab: {  	v7 =	vor.u32 $0x15, v2;
	[tilespmem:$0x1F890] =	vst v1;
	v1 =	vld [tilespmem:$0x1F840];
	_ =	sdelay $0x4  }
0xac: {  	v1 =	vadd.f32 v5, v1;
	v5 =	vld.idx.msk [tilespmem:v7+s18+$0x0], $0xffff;
	_ =	sdelay $0x3  }
0xad: {  	[tilespmem:$0x1F860] =	vst v1  }
0xae: {  	v8 =	vor.u32 $0x16, v2;
	[tilespmem:$0x1F8B0] =	vst v5;
	v5 =	vld [tilespmem:$0x1F860];
	_ =	sdelay $0x2  }
0xaf: {  	v3 =	vmul.f32 v3, v22;
	_ =	sdelay $0x1  }
0xb0: {  	v3 =	vadd.f32 v3, v5;
	v5 =	vld.idx.msk [tilespmem:v8+s18+$0x0], $0xffff;
	_ =	sdelay $0x1  }
0xb1: {  	v1 =	vld [tilespmem:$0x1F850];
	_ =	sdelay $0x1  }
0xb2: {  	[tilespmem:$0x1F880] =	vst v3  }
0xb3: {  	[tilespmem:$0x1F8D0] =	vst v5;
	v5 =	vld [tilespmem:$0x1F880];
	_ =	sdelay $0x1  }
0xb4: {  	v1 =	vmax.f32 v1, $0.0e+00  }
0xb5: {  	v1 =	vmul.f32 v1, v14;
	_ =	sdelay $0x1  }
0xb6: {  	v1 =	vadd.f32 v1, v5  }
0xb7: {  	v3 =	vld [tilespmem:$0x1F870]  }
0xb8: {  	v6 =	vor.u32 $0x17, v2;
	[tilespmem:$0x1F8A0] =	vst v1;
	v1 =	vld [tilespmem:$0x1F890];
	_ =	sdelay $0x3  }
0xb9: {  	v3 =	vmax.f32 v3, $0.0e+00  }
0xba: {  	v5 =	vmul.f32 v3, v17;
	v3 =	vmax.f32 v1, $0.0e+00;
	v1 =	vld.idx.msk [tilespmem:v6+s18+$0x0], $0xffff;
	_ =	sdelay $0x4  }
0xbb: {  	v7 =	vor.u32 $0x18, v2;
	[tilespmem:$0x1F8F0] =	vst v1;
	v1 =	vld [tilespmem:$0x1F8A0];
	_ =	sdelay $0x4  }
0xbc: {  	v1 =	vadd.f32 v5, v1;
	v5 =	vld.idx.msk [tilespmem:v7+s18+$0x0], $0xffff;
	_ =	sdelay $0x3  }
0xbd: {  	[tilespmem:$0x1F8C0] =	vst v1  }
0xbe: {  	v8 =	vor.u32 $0x19, v2;
	[tilespmem:$0x1F910] =	vst v5;
	v5 =	vld [tilespmem:$0x1F8C0];
	_ =	sdelay $0x2  }
0xbf: {  	v3 =	vmul.f32 v3, v23;
	_ =	sdelay $0x1  }
0xc0: {  	v3 =	vadd.f32 v3, v5;
	v5 =	vld.idx.msk [tilespmem:v8+s18+$0x0], $0xffff;
	_ =	sdelay $0x1  }
0xc1: {  	v1 =	vld [tilespmem:$0x1F8B0];
	_ =	sdelay $0x1  }
0xc2: {  	[tilespmem:$0x1F8E0] =	vst v3  }
0xc3: {  	[tilespmem:$0x1F920] =	vst v5;
	v5 =	vld [tilespmem:$0x1F8E0];
	_ =	sdelay $0x1  }
0xc4: {  	v1 =	vmax.f32 v1, $0.0e+00  }
0xc5: {  	v1 =	vmul.f32 v1, v12;
	_ =	sdelay $0x1  }
0xc6: {  	v1 =	vadd.f32 v1, v5  }
0xc7: {  	v3 =	vld [tilespmem:$0x1F8D0]  }
0xc8: {  	v6 =	vor.u32 $0x1A, v2;
	[tilespmem:$0x1F900] =	vst v1;
	v1 =	vld [tilespmem:$0x1F8F0];
	_ =	sdelay $0x3  }
0xc9: {  	v3 =	vmax.f32 v3, $0.0e+00  }
0xca: {  	v5 =	vmul.f32 v3, v24;
	v3 =	vmax.f32 v1, $0.0e+00;
	v1 =	vld.idx.msk [tilespmem:v6+s18+$0x0], $0xffff;
	_ =	sdelay $0x4  }
0xcb: {  	[tilespmem:$0x1F940] =	vst v1;
	v1 =	vld [tilespmem:$0x1F900];
	_ =	sdelay $0x1  }
0xcc: {  	v8 =	vor.u32 $0x1C, v2;
	_ =	sdelay $0x2  }
0xcd: {  	v3 =	vmul.f32 v3, v18;
	v6 =	vadd.f32 v5, v1;
	v1 =	vor.u32 $0x1D, v2  }
0xce: {  	[tilespmem:$0x1F950] =	vst v1;
	v1 =	vld [tilespmem:$0x1F910]  }
0xcf: {  	v3 =	vadd.f32 v3, v6;
	v6 =	vld.idx.msk [tilespmem:v8+s18+$0x0], $0xffff;
	_ =	sdelay $0x3  }
0xd0: {  	[tilespmem:$0x1F930] =	vst v3  }
0xd1: {  	v1 =	vmax.f32 v1, $0.0e+00;
	[tilespmem:$0x1F970] =	vst v6;
	v6 =	vld [tilespmem:$0x1F930]  }
0xd2: {  	v3 =	vmul.f32 v1, v25;
	v1 =	vld [tilespmem:$0x1F920];
	_ =	sdelay $0x2  }
0xd3: {  	v7 =	vor.u32 $0x1B, v2  }
0xd4: {  	v3 =	vadd.f32 v3, v6  }
0xd5: {  	v1 =	vmax.f32 v1, $0.0e+00  }
0xd6: {  	[tilespmem:$0x1F960] =	vst v3;
	v3 =	vmul.f32 v1, v26;
	v1 =	vld [tilespmem:$0x1F940]  }
0xd7: {  	v9 =	vld [tilespmem:$0x1F960]  }
0xd8: {  	v5 =	vld.idx.msk [tilespmem:v7+s18+$0x0], $0xffff  }
0xd9: {  	v6 =	vld [tilespmem:$0x1F950];
	_ =	sdelay $0x1  }
0xda: {  	v1 =	vmax.f32 v1, $0.0e+00  }
0xdb: {  	v9 =	vadd.f32 v3, v9;
	v3 =	vmul.f32 v1, v27;
	v1 =	vor.u32 $0x20, v2  }
0xdc: {  	v7 =	vor.u32 $0x1E, v2;
	[tilespmem:$0x1F980] =	vst v1;
	v1 =	vmax.f32 v5, $0.0e+00  }
0xdd: {  	v9 =	vadd.f32 v3, v9;
	v3 =	vmul.f32 v1, v28;
	v1 =	vor.u32 $0x21, v2  }
0xde: {  	[tilespmem:$0x1F990] =	vst v1;
	v1 =	vld [tilespmem:$0x1F970]  }
0xdf: {  	v8 =	vor.u32 $0x1F, v2  }
0xe0: {  	v6 =	vld.idx.msk [tilespmem:v6+s18+$0x0], $0xffff  }
0xe1: {  	v5 =	vld.idx.msk [tilespmem:v7+s18+$0x0], $0xffff;
	_ =	sdelay $0x1  }
0xe2: {  	v1 =	vmax.f32 v1, $0.0e+00  }
0xe3: {  	v7 =	vld.idx.msk [tilespmem:v8+s18+$0x0], $0xffff;
	v8 =	vadd.f32 v3, v9;
	v3 =	vmul.f32 v1, v29  }
0xe4: {  	v1 =	vmax.f32 v6, $0.0e+00;
	v6 =	vld [tilespmem:$0x1F980]  }
0xe5: {  	v9 =	vadd.f32 v3, v8;
	v3 =	vmul.f32 v1, v30;
	v1 =	vmax.f32 v5, $0.0e+00;
	v5 =	vld [tilespmem:$0x1F990];
	_ =	sdelay $0x3  }
0xe6: {  	[tilespmem:$0x1F9A0] =	vst v7;
	v9 =	vadd.f32 v3, v9;
	v3 =	vmul.f32 v1, v31;
	v1 =	vor.u32 $0x24, v2  }
0xe7: {  	[tilespmem:$0x1F9B0] =	vst v1;
	v1 =	vld [tilespmem:$0x1F9A0];
	_ =	sdelay $0x1  }
0xe8: {  	v6 =	vld.idx.msk [tilespmem:v6+s18+$0x0], $0xffff  }
0xe9: {  	v5 =	vld.idx.msk [tilespmem:v5+s18+$0x0], $0xffff;
	_ =	sdelay $0x1  }
0xea: {  	v1 =	vmax.f32 v1, $0.0e+00  }
0xeb: {  	v9 =	vadd.f32 v3, v9;
	v3 =	vmul.f32 v1, v32;
	v1 =	vor.u32 $0x25, v2  }
0xec: {  	v7 =	vor.u32 $0x22, v2;
	[tilespmem:$0x1F9C0] =	vst v1;
	v1 =	vmax.f32 v6, $0.0e+00  }
0xed: {  	v9 =	vadd.f32 v3, v9;
	v3 =	vmul.f32 v1, v33;
	v1 =	vmax.f32 v5, $0.0e+00;
	v5 =	vld [tilespmem:$0x1F9B0];
	_ =	sdelay $0x1  }
0xee: {  	v8 =	vor.u32 $0x23, v2;
	_ =	sdelay $0x2  }
0xef: {  	v7 =	vld.idx.msk [tilespmem:v7+s18+$0x0], $0xffff;
	_ =	sdelay $0x1  }
0xf0: {  	v6 =	vld.idx.msk [tilespmem:v8+s18+$0x0], $0xffff  }
0xf1: {  	v5 =	vld.idx.msk [tilespmem:v5+s18+$0x0], $0xffff  }
0xf2: {  	v9 =	vadd.f32 v3, v9;
	v3 =	vmul.f32 v1, v34;
	v1 =	vor.u32 $0x27, v2  }
0xf3: {  	[tilespmem:$0x1F9D0] =	vst v1;
	v1 =	vmax.f32 v7, $0.0e+00;
	v7 =	vld [tilespmem:$0x1F9C0]  }
0xf4: {  	v9 =	vadd.f32 v3, v9;
	v3 =	vmul.f32 v1, v35;
	v1 =	vor.u32 $0x28, v2  }
0xf5: {  	[tilespmem:$0x1F9E0] =	vst v1;
	v1 =	vmax.f32 v6, $0.0e+00  }
0xf6: {  	v9 =	vadd.f32 v3, v9;
	v3 =	vmul.f32 v1, v36;
	v1 =	vmax.f32 v5, $0.0e+00;
	v5 =	vld [tilespmem:$0x1F9D0];
	_ =	sdelay $0x1  }
0xf7: {  	v8 =	vor.u32 $0x26, v2;
	_ =	sdelay $0x2  }
0xf8: {  	v7 =	vld.idx.msk [tilespmem:v7+s18+$0x0], $0xffff;
	_ =	sdelay $0x1  }
0xf9: {  	v6 =	vld.idx.msk [tilespmem:v8+s18+$0x0], $0xffff  }
0xfa: {  	v5 =	vld.idx.msk [tilespmem:v5+s18+$0x0], $0xffff  }
0xfb: {  	v9 =	vadd.f32 v3, v9;
	v3 =	vmul.f32 v1, v37;
	v1 =	vor.u32 $0x2A, v2  }
0xfc: {  	[tilespmem:$0x1F9F0] =	vst v1;
	v1 =	vmax.f32 v7, $0.0e+00;
	v7 =	vld [tilespmem:$0x1F9E0]  }
0xfd: {  	v9 =	vadd.f32 v3, v9;
	v3 =	vmul.f32 v1, v38;
	v1 =	vor.u32 $0x2B, v2  }
0xfe: {  	[tilespmem:$0x1FA00] =	vst v1;
	v1 =	vmax.f32 v6, $0.0e+00  }
0xff: {  	v9 =	vadd.f32 v3, v9;
	v3 =	vmul.f32 v1, v39;
	v1 =	vmax.f32 v5, $0.0e+00;
	v5 =	vld [tilespmem:$0x1F9F0];
	_ =	sdelay $0x1  }
0x100: {  	v8 =	vor.u32 $0x29, v2;
	_ =	sdelay $0x2  }
0x101: {  	v7 =	vld.idx.msk [tilespmem:v7+s18+$0x0], $0xffff;
	_ =	sdelay $0x1  }
0x102: {  	v6 =	vld.idx.msk [tilespmem:v8+s18+$0x0], $0xffff  }
0x103: {  	v5 =	vld.idx.msk [tilespmem:v5+s18+$0x0], $0xffff  }
0x104: {  	v9 =	vadd.f32 v3, v9;
	v3 =	vmul.f32 v1, v40;
	v1 =	vor.u32 $0x2D, v2  }
0x105: {  	[tilespmem:$0x1FA10] =	vst v1;
	v1 =	vmax.f32 v7, $0.0e+00;
	v7 =	vld [tilespmem:$0x1FA00]  }
0x106: {  	v9 =	vadd.f32 v3, v9;
	v3 =	vmul.f32 v1, v41;
	v1 =	vor.u32 $0x2E, v2  }
0x107: {  	[tilespmem:$0x1FA20] =	vst v1;
	v1 =	vmax.f32 v6, $0.0e+00  }
0x108: {  	v9 =	vadd.f32 v3, v9;
	v3 =	vmul.f32 v1, v42;
	v1 =	vmax.f32 v5, $0.0e+00;
	v5 =	vld [tilespmem:$0x1FA10];
	_ =	sdelay $0x1  }
0x109: {  	v8 =	vor.u32 $0x2C, v2;
	_ =	sdelay $0x2  }
0x10a: {  	v7 =	vld.idx.msk [tilespmem:v7+s18+$0x0], $0xffff;
	_ =	sdelay $0x1  }
0x10b: {  	v6 =	vld.idx.msk [tilespmem:v8+s18+$0x0], $0xffff  }
0x10c: {  	v5 =	vld.idx.msk [tilespmem:v5+s18+$0x0], $0xffff  }
0x10d: {  	v9 =	vadd.f32 v3, v9;
	v3 =	vmul.f32 v1, v43;
	v1 =	vor.u32 $0x30, v2  }
0x10e: {  	[tilespmem:$0x1FA30] =	vst v1;
	v1 =	vmax.f32 v7, $0.0e+00;
	v7 =	vld [tilespmem:$0x1FA20]  }
0x10f: {  	v9 =	vadd.f32 v3, v9;
	v3 =	vmul.f32 v1, v44;
	v1 =	vor.u32 $0x31, v2  }
0x110: {  	[tilespmem:$0x1FA40] =	vst v1;
	v1 =	vmax.f32 v6, $0.0e+00  }
0x111: {  	v9 =	vadd.f32 v3, v9;
	v3 =	vmul.f32 v1, v45;
	v1 =	vmax.f32 v5, $0.0e+00;
	v5 =	vld [tilespmem:$0x1FA30];
	_ =	sdelay $0x1  }
0x112: {  	v8 =	vor.u32 $0x2F, v2;
	_ =	sdelay $0x2  }
0x113: {  	v7 =	vld.idx.msk [tilespmem:v7+s18+$0x0], $0xffff;
	_ =	sdelay $0x1  }
0x114: {  	v6 =	vld.idx.msk [tilespmem:v8+s18+$0x0], $0xffff  }
0x115: {  	v5 =	vld.idx.msk [tilespmem:v5+s18+$0x0], $0xffff  }
0x116: {  	v9 =	vadd.f32 v3, v9;
	v3 =	vmul.f32 v1, v46;
	v1 =	vor.u32 $0x33, v2  }
0x117: {  	[tilespmem:$0x1FA50] =	vst v1;
	v1 =	vmax.f32 v7, $0.0e+00;
	v7 =	vld [tilespmem:$0x1FA40]  }
0x118: {  	v9 =	vadd.f32 v3, v9;
	v3 =	vmul.f32 v1, v47;
	v1 =	vor.u32 $0x34, v2  }
0x119: {  	[tilespmem:$0x1FA60] =	vst v1;
	v1 =	vmax.f32 v6, $0.0e+00  }
0x11a: {  	v9 =	vadd.f32 v3, v9;
	v3 =	vmul.f32 v1, v48;
	v1 =	vmax.f32 v5, $0.0e+00;
	v5 =	vld [tilespmem:$0x1FA50];
	_ =	sdelay $0x1  }
0x11b: {  	v8 =	vor.u32 $0x32, v2;
	_ =	sdelay $0x2  }
0x11c: {  	v7 =	vld.idx.msk [tilespmem:v7+s18+$0x0], $0xffff;
	_ =	sdelay $0x1  }
0x11d: {  	v6 =	vld.idx.msk [tilespmem:v8+s18+$0x0], $0xffff  }
0x11e: {  	v5 =	vld.idx.msk [tilespmem:v5+s18+$0x0], $0xffff  }
0x11f: {  	v9 =	vadd.f32 v3, v9;
	v3 =	vmul.f32 v1, v49;
	v1 =	vor.u32 $0x36, v2  }
0x120: {  	[tilespmem:$0x1FA70] =	vst v1;
	v1 =	vmax.f32 v7, $0.0e+00;
	v7 =	vld [tilespmem:$0x1FA60]  }
0x121: {  	v9 =	vadd.f32 v3, v9;
	v3 =	vmul.f32 v1, v50;
	v1 =	vor.u32 $0x37, v2  }
0x122: {  	[tilespmem:$0x1FA80] =	vst v1;
	v1 =	vmax.f32 v6, $0.0e+00  }
0x123: {  	v9 =	vadd.f32 v3, v9;
	v3 =	vmul.f32 v1, v51;
	v1 =	vmax.f32 v5, $0.0e+00;
	v5 =	vld [tilespmem:$0x1FA70];
	_ =	sdelay $0x1  }
0x124: {  	v8 =	vor.u32 $0x35, v2;
	_ =	sdelay $0x2  }
0x125: {  	v7 =	vld.idx.msk [tilespmem:v7+s18+$0x0], $0xffff;
	_ =	sdelay $0x1  }
0x126: {  	v6 =	vld.idx.msk [tilespmem:v8+s18+$0x0], $0xffff  }
0x127: {  	v5 =	vld.idx.msk [tilespmem:v5+s18+$0x0], $0xffff  }
0x128: {  	v9 =	vadd.f32 v3, v9;
	v3 =	vmul.f32 v1, v52;
	v1 =	vor.u32 $0x39, v2  }
0x129: {  	[tilespmem:$0x1FA90] =	vst v1;
	v1 =	vmax.f32 v7, $0.0e+00;
	v7 =	vld [tilespmem:$0x1FA80]  }
0x12a: {  	v9 =	vadd.f32 v3, v9;
	v3 =	vmul.f32 v1, v53;
	v1 =	vor.u32 $0x3A, v2  }
0x12b: {  	[tilespmem:$0x1FAA0] =	vst v1;
	v1 =	vmax.f32 v6, $0.0e+00  }
0x12c: {  	v9 =	vadd.f32 v3, v9;
	v3 =	vmul.f32 v1, v54;
	v1 =	vmax.f32 v5, $0.0e+00;
	v5 =	vld [tilespmem:$0x1FA90];
	_ =	sdelay $0x1  }
0x12d: {  	v8 =	vor.u32 $0x38, v2;
	_ =	sdelay $0x2  }
0x12e: {  	v7 =	vld.idx.msk [tilespmem:v7+s18+$0x0], $0xffff;
	_ =	sdelay $0x1  }
0x12f: {  	v6 =	vld.idx.msk [tilespmem:v8+s18+$0x0], $0xffff  }
0x130: {  	v5 =	vld.idx.msk [tilespmem:v5+s18+$0x0], $0xffff  }
0x131: {  	v9 =	vadd.f32 v3, v9;
	v3 =	vmul.f32 v1, v55;
	v1 =	vor.u32 $0x3C, v2  }
0x132: {  	[tilespmem:$0x1FAB0] =	vst v1;
	v1 =	vmax.f32 v7, $0.0e+00;
	v7 =	vld [tilespmem:$0x1FAA0]  }
0x133: {  	v9 =	vadd.f32 v3, v9;
	v3 =	vmul.f32 v1, v56;
	v1 =	vor.u32 $0x3D, v2  }
0x134: {  	[tilespmem:$0x1FAC0] =	vst v1;
	v1 =	vmax.f32 v6, $0.0e+00  }
0x135: {  	v9 =	vadd.f32 v3, v9;
	v3 =	vmul.f32 v1, v57;
	v1 =	vmax.f32 v5, $0.0e+00;
	v5 =	vld [tilespmem:$0x1FAB0];
	_ =	sdelay $0x1  }
0x136: {  	v8 =	vor.u32 $0x3B, v2;
	_ =	sdelay $0x2  }
0x137: {  	v7 =	vld.idx.msk [tilespmem:v7+s18+$0x0], $0xffff;
	_ =	sdelay $0x1  }
0x138: {  	v6 =	vld.idx.msk [tilespmem:v8+s18+$0x0], $0xffff  }
0x139: {  	v8 =	vor.u32 $0x3E, v2;
	v5 =	vld.idx.msk [tilespmem:v5+s18+$0x0], $0xffff  }
0x13a: {  	v9 =	vadd.f32 v3, v9;
	v3 =	vmul.f32 v1, v58;
	v1 =	vor.u32 $0x3F, v2;
	v2 =	vld [tilespmem:$0x1FAC0]  }
0x13b: {  	[tilespmem:$0x1FAD0] =	vst v1;
	v1 =	vmax.f32 v7, $0.0e+00  }
0x13c: {  	v3 =	vadd.f32 v3, v9;
	v1 =	vmul.f32 v1, v59;
	_ =	sdelay $0x1  }
0x13d: {  	v1 =	vadd.f32 v1, v3;
	v3 =	vmax.f32 v5, $0.0e+00;
	v5 =	vld [tilespmem:$0x1FAD0];
	_ =	sdelay $0x3  }
0x13e: {  	v7 =	vld.idx.msk [tilespmem:v2+s18+$0x0], $0xffff  }
0x13f: {  	v2 =	vmax.f32 v6, $0.0e+00  }
0x140: {  	v6 =	vld.idx.msk [tilespmem:v8+s18+$0x0], $0xffff;
	v2 =	vmul.f32 v2, v60;
	_ =	sdelay $0x1  }
0x141: {  	v1 =	vadd.f32 v2, v1;
	v2 =	vmul.f32 v3, v61;
	v5 =	vld.idx.msk [tilespmem:v5+s18+$0x0], $0xffff  }
0x142: {  	v3 =	vmax.f32 v7, $0.0e+00  }
0x143: {  	v1 =	vadd.f32 v2, v1;
	v2 =	vmul.f32 v3, v62  }
0x144: {  	v3 =	vmax.f32 v6, $0.0e+00  }
0x145: {  	v1 =	vadd.f32 v2, v1;
	v2 =	vmul.f32 v3, v63  }
0x146: {  	v3 =	vmax.f32 v5, $0.0e+00;
	v5 =	vld [tilespmem:s24+$0x0]  }
0x147: {  	v1 =	vadd.f32 v2, v1;
	v2 =	vmul.f32 v3, v0;
	_ =	sdelay $0x1  }
0x148: {  	v1 =	vadd.f32 v2, v1;
	_ =	sdelay $0x1  }
0x149: {  	v1 =	vadd.f32 v1, v5;
	_ =	sdelay $0x1  }
0x14a: {  	v1 =	vsub.f32 $0.0e+00, v1;
	_ =	sdelay $0x1  }
0x14b: {  	v1 =	vmul.f32 $1.442695020e+00, v1;
	_ =	sdelay $0x1  }
0x14c: {  	(erf) = vpow2.f32 v1;
	_ =	sdelay $0x8  }
0x14d: {  	v1 =	vpop (erf)  }
0x14e: {  	v1 =	vadd.f32 $1.000000000e+00, v1;
	_ =	sdelay $0x1  }
0x14f: {  	(erf) = vrcp.f32 v1;
	_ =	sdelay $0x4  }
0x150: {  	s28 =	simm.s32 $0x10;
	v3 =	vld [tilespmem:s23+$0x0]  }
0x151: {  	v1 =	vmov s28  }
0x152: {  	v1 =	vshll.u32 v1, $0x6  }
0x153: {  	v1 =	vor.u32 v4, v1  }
0x154: {  	v2 =	vor.u32 $0x2, v1;
	v5 =	vpop (erf)  }
0x155: {  	v3 =	vmul.f32 v5, v3  }
0x156: {  	s28 =	simm.s32 $0x7000  }
0x157: {  	[tilespmem:s28+$0x0] =	vst v3  }
0x158: {  	v7 =	vor.u32 $0x4, v1;
	v3 =	vld.idx.msk [tilespmem:v1+s18+$0x0], $0xffff  }
0x159: {  	[tilespmem:$0x1FAE0] =	vst v7;
	v7 =	vld.idx.msk [tilespmem:v2+s18+$0x0], $0xffff;
	v2 =	vor.u32 $0x5, v1  }
0x15a: {  	[tilespmem:$0x1FAF0] =	vst v2;
	v2 =	vld [tilespmem:$0x1FE80]  }
0x15b: {  	v6 =	vor.u32 $0x1, v1;
	_ =	sdelay $0x2  }
0x15c: {  	v3 =	vmax.f32 v3, $0.0e+00  }
0x15d: {  	v3 =	vmul.f32 v3, v2  }
0x15e: {  	v6 =	vld.idx.msk [tilespmem:v6+s18+$0x0], $0xffff  }
0x15f: {  	v9 =	vadd.f32 $0.0e+00, v3;
	v3 =	vld [tilespmem:$0x1FE90];
	_ =	sdelay $0x2  }
0x160: {  	v2 =	vor.u32 $0x6, v1  }
0x161: {  	[tilespmem:$0x1FB00] =	vst v2;
	v2 =	vmax.f32 v6, $0.0e+00  }
0x162: {  	v3 =	vmul.f32 v2, v3;
	_ =	sdelay $0x1  }
0x163: {  	v8 =	vor.u32 $0x3, v1;
	v9 =	vadd.f32 v3, v9;
	v3 =	vld [tilespmem:$0x1FEA0];
	_ =	sdelay $0x2  }
0x164: {  	v2 =	vor.u32 $0x7, v1  }
0x165: {  	[tilespmem:$0x1FB10] =	vst v2;
	v2 =	vmax.f32 v7, $0.0e+00  }
0x166: {  	v8 =	vld.idx.msk [tilespmem:v8+s18+$0x0], $0xffff;
	v3 =	vmul.f32 v2, v3  }
0x167: {  	v6 =	vld [tilespmem:$0x1FAE0]  }
0x168: {  	v9 =	vadd.f32 v3, v9;
	v3 =	vld [tilespmem:$0x1FEB0];
	_ =	sdelay $0x2  }
0x169: {  	v2 =	vor.u32 $0x8, v1  }
0x16a: {  	[tilespmem:$0x1FB20] =	vst v2;
	v2 =	vmax.f32 v8, $0.0e+00  }
0x16b: {  	v3 =	vmul.f32 v2, v3;
	_ =	sdelay $0x1  }
0x16c: {  	v7 =	vld [tilespmem:$0x1FAF0];
	v3 =	vadd.f32 v3, v9  }
0x16d: {  	v6 =	vld.idx.msk [tilespmem:v6+s18+$0x0], $0xffff  }
0x16e: {  	[tilespmem:$0x1FB30] =	vst v3;
	v3 =	vld [tilespmem:$0x1FEC0]  }
0x16f: {  	v8 =	vld [tilespmem:$0x1FB00]  }
0x170: {  	v10 =	vld [tilespmem:$0x1FB30];
	_ =	sdelay $0x1  }
0x171: {  	v2 =	vmax.f32 v6, $0.0e+00  }
0x172: {  	v3 =	vmul.f32 v2, v3;
	_ =	sdelay $0x1  }
0x173: {  	v7 =	vld.idx.msk [tilespmem:v7+s18+$0x0], $0xffff;
	v3 =	vadd.f32 v3, v10  }
0x174: {  	v6 =	vld [tilespmem:$0x1FB10]  }
0x175: {  	[tilespmem:$0x1FB50] =	vst v3;
	v3 =	vld [tilespmem:$0x1FED0]  }
0x176: {  	v8 =	vld.idx.msk [tilespmem:v8+s18+$0x0], $0xffff  }
0x177: {  	v11 =	vld [tilespmem:$0x1FB50];
	_ =	sdelay $0x1  }
0x178: {  	v2 =	vmax.f32 v7, $0.0e+00  }
0x179: {  	v3 =	vmul.f32 v2, v3;
	_ =	sdelay $0x1  }
0x17a: {  	[tilespmem:$0x1FB40] =	vst v8;
	v6 =	vld.idx.msk [tilespmem:v6+s18+$0x0], $0xffff;
	v3 =	vadd.f32 v3, v11  }
0x17b: {  	v2 =	vld [tilespmem:$0x1FB40]  }
0x17c: {  	v9 =	vor.u32 $0xA, v1;
	[tilespmem:$0x1FB60] =	vst v3;
	v3 =	vld [tilespmem:$0x1FEE0];
	_ =	sdelay $0x3  }
0x17d: {  	v7 =	vld [tilespmem:$0x1FB20];
	v2 =	vmax.f32 v2, $0.0e+00  }
0x17e: {  	v3 =	vmul.f32 v2, v3;
	v2 =	vmax.f32 v6, $0.0e+00;
	v6 =	vld.idx.msk [tilespmem:v9+s18+$0x0], $0xffff  }
0x17f: {  	v9 =	vld [tilespmem:$0x1FB60];
	_ =	sdelay $0x4  }
0x180: {  	v3 =	vadd.f32 v3, v9  }
0x181: {  	v7 =	vld.idx.msk [tilespmem:v7+s18+$0x0], $0xffff  }
0x182: {  	v10 =	vor.u32 $0xB, v1;
	[tilespmem:$0x1FB70] =	vst v3;
	v3 =	vld [tilespmem:$0x1FEF0];
	_ =	sdelay $0x4  }
0x183: {  	v3 =	vmul.f32 v2, v3;
	v2 =	vmax.f32 v7, $0.0e+00;
	v7 =	vld.idx.msk [tilespmem:v10+s18+$0x0], $0xffff  }
0x184: {  	v10 =	vld [tilespmem:$0x1FB70]  }
0x185: {  	v8 =	vor.u32 $0x9, v1;
	_ =	sdelay $0x3  }
0x186: {  	v3 =	vadd.f32 v3, v10  }
0x187: {  	v8 =	vld.idx.msk [tilespmem:v8+s18+$0x0], $0xffff  }
0x188: {  	v11 =	vor.u32 $0xC, v1;
	[tilespmem:$0x1FB80] =	vst v3;
	v3 =	vld [tilespmem:$0x1FF00];
	_ =	sdelay $0x4  }
0x189: {  	v3 =	vmul.f32 v2, v3;
	v2 =	vmax.f32 v8, $0.0e+00;
	v8 =	vld.idx.msk [tilespmem:v11+s18+$0x0], $0xffff  }
0x18a: {  	v11 =	vld [tilespmem:$0x1FB80];
	_ =	sdelay $0x4  }
0x18b: {  	v3 =	vadd.f32 v3, v11;
	_ =	sdelay $0x1  }
0x18c: {  	v9 =	vor.u32 $0xD, v1;
	[tilespmem:$0x1FB90] =	vst v3;
	v3 =	vld [tilespmem:$0x1FF10];
	_ =	sdelay $0x4  }
0x18d: {  	v3 =	vmul.f32 v2, v3;
	v2 =	vmax.f32 v6, $0.0e+00;
	v6 =	vld.idx.msk [tilespmem:v9+s18+$0x0], $0xffff  }
0x18e: {  	v9 =	vld [tilespmem:$0x1FB90];
	_ =	sdelay $0x4  }
0x18f: {  	v3 =	vadd.f32 v3, v9;
	_ =	sdelay $0x1  }
0x190: {  	v10 =	vor.u32 $0xE, v1;
	[tilespmem:$0x1FBA0] =	vst v3;
	v3 =	vld [tilespmem:$0x1FF20];
	_ =	sdelay $0x4  }
0x191: {  	v3 =	vmul.f32 v2, v3;
	v2 =	vmax.f32 v7, $0.0e+00;
	v7 =	vld.idx.msk [tilespmem:v10+s18+$0x0], $0xffff  }
0x192: {  	v10 =	vld [tilespmem:$0x1FBA0];
	_ =	sdelay $0x4  }
0x193: {  	v3 =	vadd.f32 v3, v10;
	_ =	sdelay $0x1  }
0x194: {  	v11 =	vor.u32 $0xF, v1;
	[tilespmem:$0x1FBB0] =	vst v3;
	v3 =	vld [tilespmem:$0x1FF30];
	_ =	sdelay $0x4  }
0x195: {  	v3 =	vmul.f32 v2, v3;
	v2 =	vmax.f32 v8, $0.0e+00;
	v8 =	vld.idx.msk [tilespmem:v11+s18+$0x0], $0xffff  }
0x196: {  	v11 =	vld [tilespmem:$0x1FBB0];
	_ =	sdelay $0x4  }
0x197: {  	v3 =	vadd.f32 v3, v11;
	_ =	sdelay $0x1  }
0x198: {  	v9 =	vor.u32 $0x10, v1;
	[tilespmem:$0x1FBC0] =	vst v3;
	v3 =	vld [tilespmem:$0x1FF60];
	_ =	sdelay $0x4  }
0x199: {  	v3 =	vmul.f32 v2, v3;
	v2 =	vmax.f32 v6, $0.0e+00;
	v6 =	vld.idx.msk [tilespmem:v9+s18+$0x0], $0xffff  }
0x19a: {  	v9 =	vld [tilespmem:$0x1FBC0];
	_ =	sdelay $0x4  }
0x19b: {  	v3 =	vadd.f32 v3, v9;
	_ =	sdelay $0x1  }
0x19c: {  	v10 =	vor.u32 $0x11, v1;
	[tilespmem:$0x1FBD0] =	vst v3;
	v3 =	vld [tilespmem:$0x1FF40];
	_ =	sdelay $0x4  }
0x19d: {  	v3 =	vmul.f32 v2, v3;
	v2 =	vmax.f32 v7, $0.0e+00;
	v7 =	vld.idx.msk [tilespmem:v10+s18+$0x0], $0xffff  }
0x19e: {  	v10 =	vld [tilespmem:$0x1FBD0];
	_ =	sdelay $0x4  }
0x19f: {  	v3 =	vadd.f32 v3, v10;
	_ =	sdelay $0x1  }
0x1a0: {  	v11 =	vor.u32 $0x12, v1;
	[tilespmem:$0x1FBE0] =	vst v3;
	v3 =	vld [tilespmem:$0x1FF50];
	_ =	sdelay $0x4  }
0x1a1: {  	v3 =	vmul.f32 v2, v3;
	v2 =	vmax.f32 v8, $0.0e+00;
	v8 =	vld.idx.msk [tilespmem:v11+s18+$0x0], $0xffff  }
0x1a2: {  	v11 =	vld [tilespmem:$0x1FBE0];
	_ =	sdelay $0x4  }
0x1a3: {  	v3 =	vadd.f32 v3, v11;
	_ =	sdelay $0x1  }
0x1a4: {  	v9 =	vor.u32 $0x13, v1;
	[tilespmem:$0x1FBF0] =	vst v3;
	v3 =	vld [tilespmem:$0x1FF90];
	_ =	sdelay $0x4  }
0x1a5: {  	v3 =	vmul.f32 v2, v3;
	v2 =	vmax.f32 v6, $0.0e+00;
	v6 =	vld.idx.msk [tilespmem:v9+s18+$0x0], $0xffff  }
0x1a6: {  	v9 =	vld [tilespmem:$0x1FBF0];
	_ =	sdelay $0x4  }
0x1a7: {  	v3 =	vadd.f32 v3, v9;
	_ =	sdelay $0x1  }
0x1a8: {  	v10 =	vor.u32 $0x14, v1;
	[tilespmem:$0x1FC00] =	vst v3;
	v3 =	vld [tilespmem:$0x1FF70];
	_ =	sdelay $0x4  }
0x1a9: {  	v3 =	vmul.f32 v2, v3;
	v2 =	vmax.f32 v7, $0.0e+00;
	v7 =	vld.idx.msk [tilespmem:v10+s18+$0x0], $0xffff  }
0x1aa: {  	v10 =	vld [tilespmem:$0x1FC00];
	_ =	sdelay $0x4  }
0x1ab: {  	v3 =	vadd.f32 v3, v10;
	_ =	sdelay $0x1  }
0x1ac: {  	v11 =	vor.u32 $0x15, v1;
	[tilespmem:$0x1FC10] =	vst v3;
	v3 =	vld [tilespmem:$0x1FF80];
	_ =	sdelay $0x4  }
0x1ad: {  	v3 =	vmul.f32 v2, v3;
	v2 =	vmax.f32 v8, $0.0e+00;
	v8 =	vld.idx.msk [tilespmem:v11+s18+$0x0], $0xffff  }
0x1ae: {  	v11 =	vld [tilespmem:$0x1FC10];
	_ =	sdelay $0x4  }
0x1af: {  	v3 =	vadd.f32 v3, v11;
	_ =	sdelay $0x1  }
0x1b0: {  	v9 =	vor.u32 $0x16, v1;
	[tilespmem:$0x1FC20] =	vst v3;
	v3 =	vld [tilespmem:$0x1FFC0];
	_ =	sdelay $0x4  }
0x1b1: {  	v3 =	vmul.f32 v2, v3;
	v2 =	vmax.f32 v6, $0.0e+00;
	v6 =	vld.idx.msk [tilespmem:v9+s18+$0x0], $0xffff  }
0x1b2: {  	v9 =	vld [tilespmem:$0x1FC20];
	_ =	sdelay $0x4  }
0x1b3: {  	v3 =	vadd.f32 v3, v9;
	_ =	sdelay $0x1  }
0x1b4: {  	v10 =	vor.u32 $0x17, v1;
	[tilespmem:$0x1FC30] =	vst v3;
	v3 =	vld [tilespmem:$0x1FFA0];
	_ =	sdelay $0x4  }
0x1b5: {  	v3 =	vmul.f32 v2, v3;
	v2 =	vmax.f32 v7, $0.0e+00;
	v7 =	vld.idx.msk [tilespmem:v10+s18+$0x0], $0xffff  }
0x1b6: {  	v10 =	vld [tilespmem:$0x1FC30];
	_ =	sdelay $0x4  }
0x1b7: {  	v3 =	vadd.f32 v3, v10;
	_ =	sdelay $0x1  }
0x1b8: {  	v11 =	vor.u32 $0x18, v1;
	[tilespmem:$0x1FC40] =	vst v3;
	v3 =	vld [tilespmem:$0x1FFB0];
	_ =	sdelay $0x4  }
0x1b9: {  	v3 =	vmul.f32 v2, v3;
	v2 =	vmax.f32 v8, $0.0e+00;
	v8 =	vld.idx.msk [tilespmem:v11+s18+$0x0], $0xffff  }
0x1ba: {  	v11 =	vld [tilespmem:$0x1FC40];
	_ =	sdelay $0x4  }
0x1bb: {  	v3 =	vadd.f32 v3, v11;
	_ =	sdelay $0x1  }
0x1bc: {  	v9 =	vor.u32 $0x19, v1;
	[tilespmem:$0x1FC50] =	vst v3;
	v3 =	vld [tilespmem:$0x1FFE0];
	_ =	sdelay $0x4  }
0x1bd: {  	v3 =	vmul.f32 v2, v3;
	v2 =	vmax.f32 v6, $0.0e+00;
	v6 =	vld.idx.msk [tilespmem:v9+s18+$0x0], $0xffff  }
0x1be: {  	v9 =	vld [tilespmem:$0x1FC50];
	_ =	sdelay $0x4  }
0x1bf: {  	v3 =	vadd.f32 v3, v9;
	_ =	sdelay $0x1  }
0x1c0: {  	v10 =	vor.u32 $0x1A, v1;
	[tilespmem:$0x1FC60] =	vst v3;
	v3 =	vld [tilespmem:$0x1FFD0];
	_ =	sdelay $0x4  }
0x1c1: {  	v3 =	vmul.f32 v2, v3;
	v2 =	vmax.f32 v7, $0.0e+00;
	v7 =	vld.idx.msk [tilespmem:v10+s18+$0x0], $0xffff  }
0x1c2: {  	v10 =	vld [tilespmem:$0x1FC60];
	_ =	sdelay $0x4  }
0x1c3: {  	v3 =	vadd.f32 v3, v10;
	_ =	sdelay $0x1  }
0x1c4: {  	v11 =	vor.u32 $0x1B, v1;
	[tilespmem:$0x1FC70] =	vst v3;
	v3 =	vld [tilespmem:$0x1FFF0];
	_ =	sdelay $0x4  }
0x1c5: {  	v3 =	vmul.f32 v2, v3;
	v2 =	vmax.f32 v8, $0.0e+00;
	v8 =	vld.idx.msk [tilespmem:v11+s18+$0x0], $0xffff  }
0x1c6: {  	v11 =	vld [tilespmem:$0x1FC70];
	_ =	sdelay $0x1  }
0x1c7: {  	v9 =	vor.u32 $0x1C, v1;
	_ =	sdelay $0x2  }
0x1c8: {  	v3 =	vadd.f32 v3, v11;
	_ =	sdelay $0x1  }
0x1c9: {  	[tilespmem:$0x1FC80] =	vst v3;
	v3 =	vmul.f32 v2, v25;
	v2 =	vmax.f32 v6, $0.0e+00;
	v6 =	vld.idx.msk [tilespmem:v9+s18+$0x0], $0xffff  }
0x1ca: {  	v9 =	vld [tilespmem:$0x1FC80];
	_ =	sdelay $0x1  }
0x1cb: {  	v10 =	vor.u32 $0x1D, v1;
	_ =	sdelay $0x2  }
0x1cc: {  	v3 =	vadd.f32 v3, v9;
	_ =	sdelay $0x1  }
0x1cd: {  	[tilespmem:$0x1FC90] =	vst v3;
	v3 =	vmul.f32 v2, v26;
	v2 =	vmax.f32 v7, $0.0e+00;
	v7 =	vld.idx.msk [tilespmem:v10+s18+$0x0], $0xffff  }
0x1ce: {  	v10 =	vld [tilespmem:$0x1FC90];
	_ =	sdelay $0x1  }
0x1cf: {  	v11 =	vor.u32 $0x1E, v1;
	_ =	sdelay $0x2  }
0x1d0: {  	v3 =	vadd.f32 v3, v10;
	_ =	sdelay $0x1  }
0x1d1: {  	[tilespmem:$0x1FCA0] =	vst v3;
	v3 =	vmul.f32 v2, v27;
	v2 =	vmax.f32 v8, $0.0e+00;
	v8 =	vld.idx.msk [tilespmem:v11+s18+$0x0], $0xffff  }
0x1d2: {  	v11 =	vld [tilespmem:$0x1FCA0];
	_ =	sdelay $0x1  }
0x1d3: {  	v9 =	vor.u32 $0x1F, v1;
	_ =	sdelay $0x2  }
0x1d4: {  	v3 =	vadd.f32 v3, v11;
	_ =	sdelay $0x1  }
0x1d5: {  	[tilespmem:$0x1FCB0] =	vst v3;
	v3 =	vmul.f32 v2, v28;
	v2 =	vmax.f32 v6, $0.0e+00;
	v6 =	vld.idx.msk [tilespmem:v9+s18+$0x0], $0xffff  }
0x1d6: {  	v9 =	vld [tilespmem:$0x1FCB0];
	_ =	sdelay $0x1  }
0x1d7: {  	v10 =	vor.u32 $0x20, v1;
	_ =	sdelay $0x2  }
0x1d8: {  	v3 =	vadd.f32 v3, v9;
	_ =	sdelay $0x1  }
0x1d9: {  	[tilespmem:$0x1FCC0] =	vst v3;
	v3 =	vmul.f32 v2, v29;
	v2 =	vmax.f32 v7, $0.0e+00;
	v7 =	vld.idx.msk [tilespmem:v10+s18+$0x0], $0xffff  }
0x1da: {  	v10 =	vld [tilespmem:$0x1FCC0];
	_ =	sdelay $0x1  }
0x1db: {  	v11 =	vor.u32 $0x21, v1;
	_ =	sdelay $0x2  }
0x1dc: {  	v3 =	vadd.f32 v3, v10;
	_ =	sdelay $0x1  }
0x1dd: {  	[tilespmem:$0x1FCD0] =	vst v3;
	v3 =	vmul.f32 v2, v30;
	v2 =	vmax.f32 v8, $0.0e+00;
	v8 =	vld.idx.msk [tilespmem:v11+s18+$0x0], $0xffff  }
0x1de: {  	v11 =	vld [tilespmem:$0x1FCD0];
	_ =	sdelay $0x1  }
0x1df: {  	v9 =	vor.u32 $0x22, v1;
	_ =	sdelay $0x2  }
0x1e0: {  	v3 =	vadd.f32 v3, v11;
	_ =	sdelay $0x1  }
0x1e1: {  	[tilespmem:$0x1FCE0] =	vst v3;
	v3 =	vmul.f32 v2, v31;
	v2 =	vmax.f32 v6, $0.0e+00;
	v6 =	vld.idx.msk [tilespmem:v9+s18+$0x0], $0xffff  }
0x1e2: {  	v9 =	vld [tilespmem:$0x1FCE0];
	_ =	sdelay $0x1  }
0x1e3: {  	v10 =	vor.u32 $0x23, v1;
	_ =	sdelay $0x2  }
0x1e4: {  	v3 =	vadd.f32 v3, v9;
	_ =	sdelay $0x1  }
0x1e5: {  	[tilespmem:$0x1FCF0] =	vst v3;
	v3 =	vmul.f32 v2, v32;
	v2 =	vmax.f32 v7, $0.0e+00;
	v7 =	vld.idx.msk [tilespmem:v10+s18+$0x0], $0xffff  }
0x1e6: {  	v10 =	vld [tilespmem:$0x1FCF0];
	_ =	sdelay $0x1  }
0x1e7: {  	v11 =	vor.u32 $0x24, v1;
	_ =	sdelay $0x2  }
0x1e8: {  	v3 =	vadd.f32 v3, v10;
	_ =	sdelay $0x1  }
0x1e9: {  	[tilespmem:$0x1FD00] =	vst v3;
	v3 =	vmul.f32 v2, v33;
	v2 =	vmax.f32 v8, $0.0e+00;
	v8 =	vld.idx.msk [tilespmem:v11+s18+$0x0], $0xffff  }
0x1ea: {  	v11 =	vld [tilespmem:$0x1FD00];
	_ =	sdelay $0x1  }
0x1eb: {  	v9 =	vor.u32 $0x25, v1;
	_ =	sdelay $0x2  }
0x1ec: {  	v3 =	vadd.f32 v3, v11;
	_ =	sdelay $0x1  }
0x1ed: {  	[tilespmem:$0x1FD10] =	vst v3;
	v3 =	vmul.f32 v2, v34;
	v2 =	vmax.f32 v6, $0.0e+00;
	v6 =	vld.idx.msk [tilespmem:v9+s18+$0x0], $0xffff  }
0x1ee: {  	v9 =	vld [tilespmem:$0x1FD10];
	_ =	sdelay $0x1  }
0x1ef: {  	v10 =	vor.u32 $0x26, v1;
	_ =	sdelay $0x2  }
0x1f0: {  	v3 =	vadd.f32 v3, v9;
	_ =	sdelay $0x1  }
0x1f1: {  	[tilespmem:$0x1FD20] =	vst v3;
	v3 =	vmul.f32 v2, v35;
	v2 =	vmax.f32 v7, $0.0e+00;
	v7 =	vld.idx.msk [tilespmem:v10+s18+$0x0], $0xffff  }
0x1f2: {  	v10 =	vld [tilespmem:$0x1FD20];
	_ =	sdelay $0x1  }
0x1f3: {  	v11 =	vor.u32 $0x27, v1;
	_ =	sdelay $0x2  }
0x1f4: {  	v3 =	vadd.f32 v3, v10;
	_ =	sdelay $0x1  }
0x1f5: {  	[tilespmem:$0x1FD30] =	vst v3;
	v3 =	vmul.f32 v2, v36;
	v2 =	vmax.f32 v8, $0.0e+00;
	v8 =	vld.idx.msk [tilespmem:v11+s18+$0x0], $0xffff  }
0x1f6: {  	v11 =	vld [tilespmem:$0x1FD30];
	_ =	sdelay $0x1  }
0x1f7: {  	v9 =	vor.u32 $0x28, v1;
	_ =	sdelay $0x2  }
0x1f8: {  	v3 =	vadd.f32 v3, v11;
	_ =	sdelay $0x1  }
0x1f9: {  	[tilespmem:$0x1FD40] =	vst v3;
	v3 =	vmul.f32 v2, v37;
	v2 =	vmax.f32 v6, $0.0e+00;
	v6 =	vld.idx.msk [tilespmem:v9+s18+$0x0], $0xffff  }
0x1fa: {  	v9 =	vld [tilespmem:$0x1FD40];
	_ =	sdelay $0x1  }
0x1fb: {  	v10 =	vor.u32 $0x29, v1;
	_ =	sdelay $0x2  }
0x1fc: {  	v3 =	vadd.f32 v3, v9;
	_ =	sdelay $0x1  }
0x1fd: {  	[tilespmem:$0x1FD50] =	vst v3;
	v3 =	vmul.f32 v2, v38;
	v2 =	vmax.f32 v7, $0.0e+00;
	v7 =	vld.idx.msk [tilespmem:v10+s18+$0x0], $0xffff  }
0x1fe: {  	v10 =	vld [tilespmem:$0x1FD50];
	_ =	sdelay $0x1  }
0x1ff: {  	v11 =	vor.u32 $0x2A, v1;
	_ =	sdelay $0x2  }
0x200: {  	v3 =	vadd.f32 v3, v10;
	_ =	sdelay $0x1  }
0x201: {  	[tilespmem:$0x1FD60] =	vst v3;
	v3 =	vmul.f32 v2, v39;
	v2 =	vmax.f32 v8, $0.0e+00;
	v8 =	vld.idx.msk [tilespmem:v11+s18+$0x0], $0xffff  }
0x202: {  	v11 =	vld [tilespmem:$0x1FD60];
	_ =	sdelay $0x1  }
0x203: {  	v9 =	vor.u32 $0x2B, v1;
	_ =	sdelay $0x2  }
0x204: {  	v3 =	vadd.f32 v3, v11;
	_ =	sdelay $0x1  }
0x205: {  	[tilespmem:$0x1FD70] =	vst v3;
	v3 =	vmul.f32 v2, v40;
	v2 =	vmax.f32 v6, $0.0e+00;
	v6 =	vld.idx.msk [tilespmem:v9+s18+$0x0], $0xffff  }
0x206: {  	v9 =	vld [tilespmem:$0x1FD70];
	_ =	sdelay $0x1  }
0x207: {  	v10 =	vor.u32 $0x2C, v1;
	_ =	sdelay $0x2  }
0x208: {  	v3 =	vadd.f32 v3, v9;
	_ =	sdelay $0x1  }
0x209: {  	[tilespmem:$0x1FD80] =	vst v3;
	v3 =	vmul.f32 v2, v41;
	v2 =	vmax.f32 v7, $0.0e+00;
	v7 =	vld.idx.msk [tilespmem:v10+s18+$0x0], $0xffff  }
0x20a: {  	v10 =	vld [tilespmem:$0x1FD80];
	_ =	sdelay $0x1  }
0x20b: {  	v11 =	vor.u32 $0x2D, v1;
	_ =	sdelay $0x2  }
0x20c: {  	v3 =	vadd.f32 v3, v10;
	_ =	sdelay $0x1  }
0x20d: {  	[tilespmem:$0x1FD90] =	vst v3;
	v3 =	vmul.f32 v2, v42;
	v2 =	vmax.f32 v8, $0.0e+00;
	v8 =	vld.idx.msk [tilespmem:v11+s18+$0x0], $0xffff  }
0x20e: {  	v11 =	vld [tilespmem:$0x1FD90];
	_ =	sdelay $0x1  }
0x20f: {  	v9 =	vor.u32 $0x2E, v1;
	_ =	sdelay $0x2  }
0x210: {  	v3 =	vadd.f32 v3, v11;
	_ =	sdelay $0x1  }
0x211: {  	[tilespmem:$0x1FDA0] =	vst v3;
	v3 =	vmul.f32 v2, v43;
	v2 =	vmax.f32 v6, $0.0e+00;
	v6 =	vld.idx.msk [tilespmem:v9+s18+$0x0], $0xffff  }
0x212: {  	v9 =	vld [tilespmem:$0x1FDA0];
	_ =	sdelay $0x1  }
0x213: {  	v10 =	vor.u32 $0x2F, v1;
	_ =	sdelay $0x2  }
0x214: {  	v3 =	vadd.f32 v3, v9;
	_ =	sdelay $0x1  }
0x215: {  	[tilespmem:$0x1FDB0] =	vst v3;
	v3 =	vmul.f32 v2, v44;
	v2 =	vmax.f32 v7, $0.0e+00;
	v7 =	vld.idx.msk [tilespmem:v10+s18+$0x0], $0xffff  }
0x216: {  	v10 =	vld [tilespmem:$0x1FDB0];
	_ =	sdelay $0x1  }
0x217: {  	v11 =	vor.u32 $0x30, v1;
	_ =	sdelay $0x2  }
0x218: {  	v3 =	vadd.f32 v3, v10;
	_ =	sdelay $0x1  }
0x219: {  	[tilespmem:$0x1FDC0] =	vst v3;
	v3 =	vmul.f32 v2, v45;
	v2 =	vmax.f32 v8, $0.0e+00;
	v8 =	vld.idx.msk [tilespmem:v11+s18+$0x0], $0xffff  }
0x21a: {  	v11 =	vld [tilespmem:$0x1FDC0];
	_ =	sdelay $0x1  }
0x21b: {  	v9 =	vor.u32 $0x31, v1;
	_ =	sdelay $0x2  }
0x21c: {  	v3 =	vadd.f32 v3, v11;
	_ =	sdelay $0x1  }
0x21d: {  	[tilespmem:$0x1FDD0] =	vst v3;
	v3 =	vmul.f32 v2, v46;
	v2 =	vmax.f32 v6, $0.0e+00;
	v6 =	vld.idx.msk [tilespmem:v9+s18+$0x0], $0xffff  }
0x21e: {  	v9 =	vld [tilespmem:$0x1FDD0];
	_ =	sdelay $0x1  }
0x21f: {  	v10 =	vor.u32 $0x32, v1;
	_ =	sdelay $0x2  }
0x220: {  	v3 =	vadd.f32 v3, v9;
	_ =	sdelay $0x1  }
0x221: {  	[tilespmem:$0x1FDE0] =	vst v3;
	v3 =	vmul.f32 v2, v47;
	v2 =	vmax.f32 v7, $0.0e+00;
	v7 =	vld.idx.msk [tilespmem:v10+s18+$0x0], $0xffff  }
0x222: {  	v10 =	vld [tilespmem:$0x1FDE0];
	_ =	sdelay $0x1  }
0x223: {  	v11 =	vor.u32 $0x33, v1;
	_ =	sdelay $0x2  }
0x224: {  	v3 =	vadd.f32 v3, v10;
	_ =	sdelay $0x1  }
0x225: {  	[tilespmem:$0x1FDF0] =	vst v3;
	v3 =	vmul.f32 v2, v48;
	v2 =	vmax.f32 v8, $0.0e+00;
	v8 =	vld.idx.msk [tilespmem:v11+s18+$0x0], $0xffff  }
0x226: {  	v11 =	vld [tilespmem:$0x1FDF0];
	_ =	sdelay $0x1  }
0x227: {  	v9 =	vor.u32 $0x34, v1;
	_ =	sdelay $0x2  }
0x228: {  	v3 =	vadd.f32 v3, v11;
	_ =	sdelay $0x1  }
0x229: {  	[tilespmem:$0x1FE00] =	vst v3;
	v3 =	vmul.f32 v2, v49;
	v2 =	vmax.f32 v6, $0.0e+00;
	v6 =	vld.idx.msk [tilespmem:v9+s18+$0x0], $0xffff  }
0x22a: {  	v9 =	vld [tilespmem:$0x1FE00];
	_ =	sdelay $0x1  }
0x22b: {  	v10 =	vor.u32 $0x35, v1;
	_ =	sdelay $0x2  }
0x22c: {  	v3 =	vadd.f32 v3, v9;
	_ =	sdelay $0x1  }
0x22d: {  	[tilespmem:$0x1FE10] =	vst v3;
	v3 =	vmul.f32 v2, v50;
	v2 =	vmax.f32 v7, $0.0e+00;
	v7 =	vld.idx.msk [tilespmem:v10+s18+$0x0], $0xffff  }
0x22e: {  	v10 =	vld [tilespmem:$0x1FE10];
	_ =	sdelay $0x1  }
0x22f: {  	v11 =	vor.u32 $0x36, v1;
	_ =	sdelay $0x2  }
0x230: {  	v3 =	vadd.f32 v3, v10;
	_ =	sdelay $0x1  }
0x231: {  	[tilespmem:$0x1FE20] =	vst v3;
	v3 =	vmul.f32 v2, v51;
	v2 =	vmax.f32 v8, $0.0e+00;
	v8 =	vld.idx.msk [tilespmem:v11+s18+$0x0], $0xffff  }
0x232: {  	v11 =	vld [tilespmem:$0x1FE20];
	_ =	sdelay $0x1  }
0x233: {  	v9 =	vor.u32 $0x37, v1;
	_ =	sdelay $0x2  }
0x234: {  	v3 =	vadd.f32 v3, v11;
	_ =	sdelay $0x1  }
0x235: {  	[tilespmem:$0x1FE30] =	vst v3;
	v3 =	vmul.f32 v2, v52;
	v2 =	vmax.f32 v6, $0.0e+00;
	v6 =	vld.idx.msk [tilespmem:v9+s18+$0x0], $0xffff  }
0x236: {  	v9 =	vld [tilespmem:$0x1FE30]  }
0x237: {  	v10 =	vor.u32 $0x38, v1;
	_ =	sdelay $0x2  }
0x238: {  	v11 =	vor.u32 $0x39, v1  }
0x239: {  	v9 =	vadd.f32 v3, v9;
	v3 =	vmul.f32 v2, v53;
	v2 =	vor.u32 $0x3A, v1  }
0x23a: {  	[tilespmem:$0x1FE40] =	vst v2;
	v2 =	vmax.f32 v7, $0.0e+00;
	v7 =	vld.idx.msk [tilespmem:v10+s18+$0x0], $0xffff  }
0x23b: {  	v9 =	vadd.f32 v3, v9;
	v3 =	vmul.f32 v2, v54;
	v2 =	vor.u32 $0x3B, v1  }
0x23c: {  	[tilespmem:$0x1FE50] =	vst v2;
	v2 =	vmax.f32 v8, $0.0e+00  }
0x23d: {  	v10 =	vadd.f32 v3, v9;
	v3 =	vmul.f32 v2, v55;
	v2 =	vmax.f32 v6, $0.0e+00;
	v6 =	vld [tilespmem:$0x1FE40]  }
0x23e: {  	v8 =	vld.idx.msk [tilespmem:v11+s18+$0x0], $0xffff  }
0x23f: {  	v11 =	vadd.f32 v3, v10;
	v3 =	vmul.f32 v2, v56;
	v2 =	vmax.f32 v7, $0.0e+00;
	v7 =	vld [tilespmem:$0x1FE50];
	_ =	sdelay $0x1  }
0x240: {  	v3 =	vadd.f32 v3, v11;
	_ =	sdelay $0x1  }
0x241: {  	[tilespmem:$0x1FE60] =	vst v3  }
0x242: {  	v9 =	vor.u32 $0x3C, v1;
	v3 =	vmax.f32 v8, $0.0e+00;
	v8 =	vld [tilespmem:$0x1FE60]  }
0x243: {  	v6 =	vld.idx.msk [tilespmem:v6+s18+$0x0], $0xffff  }
0x244: {  	v10 =	vor.u32 $0x3D, v1  }
0x245: {  	v2 =	vmul.f32 v2, v57;
	v7 =	vld.idx.msk [tilespmem:v7+s18+$0x0], $0xffff  }
0x246: {  	v11 =	vor.u32 $0x3E, v1  }
0x247: {  	v3 =	vmul.f32 v3, v58;
	v2 =	vadd.f32 v2, v8;
	v8 =	vld.idx.msk [tilespmem:v9+s18+$0x0], $0xffff  }
0x248: {  	v9 =	vor.u32 $0x3F, v1;
	v1 =	vmax.f32 v6, $0.0e+00  }
0x249: {  	v6 =	vld.idx.msk [tilespmem:v10+s18+$0x0], $0xffff;
	v3 =	vadd.f32 v3, v2;
	v1 =	vmul.f32 v1, v59  }
0x24a: {  	v2 =	vmax.f32 v7, $0.0e+00  }
0x24b: {  	v7 =	vld.idx.msk [tilespmem:v11+s18+$0x0], $0xffff;
	v3 =	vadd.f32 v1, v3;
	v2 =	vmul.f32 v2, v60  }
0x24c: {  	v1 =	vmax.f32 v8, $0.0e+00  }
0x24d: {  	v8 =	vld.idx.msk [tilespmem:v9+s18+$0x0], $0xffff;
	v3 =	vadd.f32 v2, v3;
	v1 =	vmul.f32 v1, v61  }
0x24e: {  	v2 =	vmax.f32 v6, $0.0e+00  }
0x24f: {  	v2 =	vmul.f32 v2, v62;
	v1 =	vadd.f32 v1, v3  }
0x250: {  	v3 =	vmax.f32 v7, $0.0e+00  }
0x251: {  	s29 =	sadd.s32 $0x10, s24;
	v6 =	vadd.f32 v2, v1;
	v2 =	vmul.f32 v3, v63  }
0x252: {  	v3 =	vmax.f32 v8, $0.0e+00;
	v1 =	vld [tilespmem:s29+$0x0]  }
0x253: {  	v3 =	vmul.f32 v3, v0;
	v2 =	vadd.f32 v2, v6;
	_ =	sdelay $0x1  }
0x254: {  	v2 =	vadd.f32 v3, v2;
	_ =	sdelay $0x1  }
0x255: {  	v1 =	vadd.f32 v2, v1;
	_ =	sdelay $0x1  }
0x256: {  	v1 =	vsub.f32 $0.0e+00, v1;
	_ =	sdelay $0x1  }
0x257: {  	v1 =	vmul.f32 $1.442695020e+00, v1;
	_ =	sdelay $0x1  }
0x258: {  	(erf) = vpow2.f32 v1;
	_ =	sdelay $0x8  }
0x259: {  	v1 =	vpop (erf)  }
0x25a: {  	v2 =	vadd.f32 $1.000000000e+00, v1;
	v1 =	vld [tilespmem:$0x1FE70];
	_ =	sdelay $0x3  }
0x25b: {  	s31 =	simm.s32 $0x20;
	s30 =	sadd.s32 $0x10, s23  }
0x25c: {  	v3 =	vld [tilespmem:s30+$0x0];
	(erf) = vrcp.f32 v2;
	v2 =	vmov s31;
	s31 =	simm.s32 $0x30;
	v1 =	vadd.f32 v5, v1  }
.LBB2_3:
0x25d: {  	_ =	sdelay $0x5  }
0x25e: {  	v2 =	vshll.u32 v2, $0x6  }
0x25f: {  	v2 =	vor.u32 v4, v2  }
0x260: {  	v11 =	vmov v4;
	v4 =	vpop (erf)  }
0x261: {  	v5 =	vor.u32 $0x1, v2;
	v3 =	vmul.f32 v4, v3  }
0x262: {  	s28 =	sadd.s32 $0x10, s28  }
0x263: {  	[tilespmem:s28+$0x0] =	vst v3  }
0x264: {  	v3 =	vld.idx.msk [tilespmem:v2+s18+$0x0], $0xffff  }
0x265: {  	v9 =	vld [tilespmem:$0x1FE80]  }
0x266: {  	v5 =	vld.idx.msk [tilespmem:v5+s18+$0x0], $0xffff  }
0x267: {  	v10 =	vld [tilespmem:$0x1FE90]  }
0x268: {  	v1 =	vadd.f32 v4, v1;
	v4 =	vor.u32 $0x2, v2  }
0x269: {  	v3 =	vmax.f32 v3, $0.0e+00  }
0x26a: {  	v3 =	vmul.f32 v3, v9  }
0x26b: {  	v5 =	vmax.f32 v5, $0.0e+00  }
0x26c: {  	v5 =	vmul.f32 v5, v10;
	v3 =	vadd.f32 $0.0e+00, v3  }
0x26d: {  	v4 =	vld.idx.msk [tilespmem:v4+s18+$0x0], $0xffff  }
0x26e: {  	v3 =	vadd.f32 v5, v3;
	v5 =	vld [tilespmem:$0x1FEA0]  }
0x26f: {  	v6 =	vor.u32 $0x3, v2;
	_ =	sdelay $0x2  }
0x270: {  	v4 =	vmax.f32 v4, $0.0e+00  }
0x271: {  	v4 =	vmul.f32 v4, v5  }
0x272: {  	v6 =	vld.idx.msk [tilespmem:v6+s18+$0x0], $0xffff  }
0x273: {  	v3 =	vadd.f32 v4, v3;
	v4 =	vld [tilespmem:$0x1FEB0]  }
0x274: {  	v7 =	vor.u32 $0x4, v2;
	_ =	sdelay $0x2  }
0x275: {  	v6 =	vmax.f32 v6, $0.0e+00  }
0x276: {  	v4 =	vmul.f32 v6, v4  }
0x277: {  	v7 =	vld.idx.msk [tilespmem:v7+s18+$0x0], $0xffff  }
0x278: {  	v3 =	vadd.f32 v4, v3;
	v4 =	vld [tilespmem:$0x1FEC0]  }
0x279: {  	v8 =	vor.u32 $0x5, v2;
	_ =	sdelay $0x2  }
0x27a: {  	v7 =	vmax.f32 v7, $0.0e+00  }
0x27b: {  	v4 =	vmul.f32 v7, v4  }
0x27c: {  	v8 =	vld.idx.msk [tilespmem:v8+s18+$0x0], $0xffff  }
0x27d: {  	v3 =	vadd.f32 v4, v3;
	v4 =	vld [tilespmem:$0x1FED0]  }
0x27e: {  	v9 =	vor.u32 $0x6, v2;
	_ =	sdelay $0x2  }
0x27f: {  	v8 =	vmax.f32 v8, $0.0e+00  }
0x280: {  	v4 =	vmul.f32 v8, v4  }
0x281: {  	v9 =	vld.idx.msk [tilespmem:v9+s18+$0x0], $0xffff  }
0x282: {  	v3 =	vadd.f32 v4, v3;
	v4 =	vld [tilespmem:$0x1FEE0]  }
0x283: {  	v10 =	vor.u32 $0x7, v2;
	_ =	sdelay $0x2  }
0x284: {  	v9 =	vmax.f32 v9, $0.0e+00  }
0x285: {  	v4 =	vmul.f32 v9, v4  }
0x286: {  	v10 =	vld.idx.msk [tilespmem:v10+s18+$0x0], $0xffff  }
0x287: {  	v3 =	vadd.f32 v4, v3;
	v4 =	vld [tilespmem:$0x1FEF0]  }
0x288: {  	v5 =	vor.u32 $0x8, v2;
	_ =	sdelay $0x2  }
0x289: {  	v10 =	vmax.f32 v10, $0.0e+00  }
0x28a: {  	v4 =	vmul.f32 v10, v4  }
0x28b: {  	v5 =	vld.idx.msk [tilespmem:v5+s18+$0x0], $0xffff  }
0x28c: {  	v3 =	vadd.f32 v4, v3;
	v4 =	vld [tilespmem:$0x1FF00]  }
0x28d: {  	v6 =	vor.u32 $0x9, v2;
	_ =	sdelay $0x2  }
0x28e: {  	v5 =	vmax.f32 v5, $0.0e+00  }
0x28f: {  	v4 =	vmul.f32 v5, v4  }
0x290: {  	v6 =	vld.idx.msk [tilespmem:v6+s18+$0x0], $0xffff  }
0x291: {  	v3 =	vadd.f32 v4, v3;
	v4 =	vld [tilespmem:$0x1FF10]  }
0x292: {  	v7 =	vor.u32 $0xA, v2;
	_ =	sdelay $0x1  }
0x293: {  	v8 =	vor.u32 $0xB, v2  }
0x294: {  	v6 =	vmax.f32 v6, $0.0e+00  }
0x295: {  	v9 =	vor.u32 $0xC, v2;
	v4 =	vmul.f32 v6, v4  }
0x296: {  	v7 =	vld.idx.msk [tilespmem:v7+s18+$0x0], $0xffff  }
0x297: {  	v10 =	vor.u32 $0xD, v2;
	v3 =	vadd.f32 v4, v3;
	v4 =	vld [tilespmem:$0x1FF20]  }
0x298: {  	v8 =	vld.idx.msk [tilespmem:v8+s18+$0x0], $0xffff  }
0x299: {  	v5 =	vor.u32 $0xE, v2  }
0x29a: {  	v9 =	vld.idx.msk [tilespmem:v9+s18+$0x0], $0xffff  }
0x29b: {  	v7 =	vmax.f32 v7, $0.0e+00;
	v6 =	vor.u32 $0xF, v2  }
0x29c: {  	v10 =	vld.idx.msk [tilespmem:v10+s18+$0x0], $0xffff;
	v4 =	vmul.f32 v7, v4  }
0x29d: {  	v8 =	vmax.f32 v8, $0.0e+00;
	v7 =	vor.u32 $0x10, v2  }
0x29e: {  	v5 =	vld.idx.msk [tilespmem:v5+s18+$0x0], $0xffff;
	v3 =	vadd.f32 v4, v3;
	v4 =	vmul.f32 v8, v15  }
0x29f: {  	v9 =	vmax.f32 v9, $0.0e+00;
	v8 =	vor.u32 $0x11, v2  }
0x2a0: {  	v6 =	vld.idx.msk [tilespmem:v6+s18+$0x0], $0xffff;
	v3 =	vadd.f32 v4, v3;
	v4 =	vmul.f32 v9, v19  }
0x2a1: {  	v10 =	vmax.f32 v10, $0.0e+00;
	v9 =	vor.u32 $0x12, v2  }
0x2a2: {  	v7 =	vld.idx.msk [tilespmem:v7+s18+$0x0], $0xffff;
	v3 =	vadd.f32 v4, v3;
	v4 =	vmul.f32 v10, v13  }
0x2a3: {  	v5 =	vmax.f32 v5, $0.0e+00;
	v10 =	vor.u32 $0x13, v2  }
0x2a4: {  	v8 =	vld.idx.msk [tilespmem:v8+s18+$0x0], $0xffff;
	v3 =	vadd.f32 v4, v3;
	v4 =	vmul.f32 v5, v20  }
0x2a5: {  	v6 =	vmax.f32 v6, $0.0e+00;
	v5 =	vor.u32 $0x14, v2  }
0x2a6: {  	v9 =	vld.idx.msk [tilespmem:v9+s18+$0x0], $0xffff;
	v3 =	vadd.f32 v4, v3;
	v4 =	vmul.f32 v6, v21  }
0x2a7: {  	v6 =	vor.u32 $0x15, v2;
	v7 =	vmax.f32 v7, $0.0e+00  }
0x2a8: {  	v10 =	vld.idx.msk [tilespmem:v10+s18+$0x0], $0xffff;
	v3 =	vadd.f32 v4, v3;
	v4 =	vmul.f32 v7, v16  }
0x2a9: {  	v7 =	vor.u32 $0x16, v2;
	v8 =	vmax.f32 v8, $0.0e+00  }
0x2aa: {  	v5 =	vld.idx.msk [tilespmem:v5+s18+$0x0], $0xffff;
	v3 =	vadd.f32 v4, v3;
	v4 =	vmul.f32 v8, v22  }
0x2ab: {  	v8 =	vor.u32 $0x17, v2;
	v9 =	vmax.f32 v9, $0.0e+00  }
0x2ac: {  	v6 =	vld.idx.msk [tilespmem:v6+s18+$0x0], $0xffff;
	v3 =	vadd.f32 v4, v3;
	v4 =	vmul.f32 v9, v14  }
0x2ad: {  	v9 =	vor.u32 $0x18, v2;
	v10 =	vmax.f32 v10, $0.0e+00  }
0x2ae: {  	v7 =	vld.idx.msk [tilespmem:v7+s18+$0x0], $0xffff;
	v3 =	vadd.f32 v4, v3;
	v4 =	vmul.f32 v10, v17  }
0x2af: {  	v10 =	vor.u32 $0x19, v2;
	v5 =	vmax.f32 v5, $0.0e+00  }
0x2b0: {  	v8 =	vld.idx.msk [tilespmem:v8+s18+$0x0], $0xffff;
	v3 =	vadd.f32 v4, v3;
	v4 =	vmul.f32 v5, v23  }
0x2b1: {  	v5 =	vor.u32 $0x1A, v2;
	v6 =	vmax.f32 v6, $0.0e+00  }
0x2b2: {  	v9 =	vld.idx.msk [tilespmem:v9+s18+$0x0], $0xffff;
	v3 =	vadd.f32 v4, v3;
	v4 =	vmul.f32 v6, v12  }
0x2b3: {  	v6 =	vor.u32 $0x1B, v2;
	v7 =	vmax.f32 v7, $0.0e+00  }
0x2b4: {  	v10 =	vld.idx.msk [tilespmem:v10+s18+$0x0], $0xffff;
	v3 =	vadd.f32 v4, v3;
	v4 =	vmul.f32 v7, v24  }
0x2b5: {  	v7 =	vor.u32 $0x1C, v2;
	v8 =	vmax.f32 v8, $0.0e+00  }
0x2b6: {  	v5 =	vld.idx.msk [tilespmem:v5+s18+$0x0], $0xffff;
	v3 =	vadd.f32 v4, v3;
	v4 =	vmul.f32 v8, v18  }
0x2b7: {  	v8 =	vor.u32 $0x1D, v2;
	v9 =	vmax.f32 v9, $0.0e+00  }
0x2b8: {  	v6 =	vld.idx.msk [tilespmem:v6+s18+$0x0], $0xffff;
	v3 =	vadd.f32 v4, v3;
	v4 =	vmul.f32 v9, v25  }
0x2b9: {  	v9 =	vor.u32 $0x1E, v2;
	v10 =	vmax.f32 v10, $0.0e+00  }
0x2ba: {  	v7 =	vld.idx.msk [tilespmem:v7+s18+$0x0], $0xffff;
	v3 =	vadd.f32 v4, v3;
	v4 =	vmul.f32 v10, v26  }
0x2bb: {  	v10 =	vor.u32 $0x1F, v2;
	v5 =	vmax.f32 v5, $0.0e+00  }
0x2bc: {  	v8 =	vld.idx.msk [tilespmem:v8+s18+$0x0], $0xffff;
	v3 =	vadd.f32 v4, v3;
	v4 =	vmul.f32 v5, v27  }
0x2bd: {  	v5 =	vor.u32 $0x20, v2;
	v6 =	vmax.f32 v6, $0.0e+00  }
0x2be: {  	v9 =	vld.idx.msk [tilespmem:v9+s18+$0x0], $0xffff;
	v3 =	vadd.f32 v4, v3;
	v4 =	vmul.f32 v6, v28  }
0x2bf: {  	v6 =	vor.u32 $0x21, v2;
	v7 =	vmax.f32 v7, $0.0e+00  }
0x2c0: {  	v10 =	vld.idx.msk [tilespmem:v10+s18+$0x0], $0xffff;
	v3 =	vadd.f32 v4, v3;
	v4 =	vmul.f32 v7, v29  }
0x2c1: {  	v7 =	vor.u32 $0x22, v2;
	v8 =	vmax.f32 v8, $0.0e+00  }
0x2c2: {  	v5 =	vld.idx.msk [tilespmem:v5+s18+$0x0], $0xffff;
	v3 =	vadd.f32 v4, v3;
	v4 =	vmul.f32 v8, v30  }
0x2c3: {  	v8 =	vor.u32 $0x23, v2;
	v9 =	vmax.f32 v9, $0.0e+00  }
0x2c4: {  	v6 =	vld.idx.msk [tilespmem:v6+s18+$0x0], $0xffff;
	v3 =	vadd.f32 v4, v3;
	v4 =	vmul.f32 v9, v31  }
0x2c5: {  	v9 =	vor.u32 $0x24, v2;
	v10 =	vmax.f32 v10, $0.0e+00  }
0x2c6: {  	v7 =	vld.idx.msk [tilespmem:v7+s18+$0x0], $0xffff;
	v3 =	vadd.f32 v4, v3;
	v4 =	vmul.f32 v10, v32  }
0x2c7: {  	v10 =	vor.u32 $0x25, v2;
	v5 =	vmax.f32 v5, $0.0e+00  }
0x2c8: {  	v8 =	vld.idx.msk [tilespmem:v8+s18+$0x0], $0xffff;
	v3 =	vadd.f32 v4, v3;
	v4 =	vmul.f32 v5, v33  }
0x2c9: {  	v5 =	vor.u32 $0x26, v2;
	v6 =	vmax.f32 v6, $0.0e+00  }
0x2ca: {  	v9 =	vld.idx.msk [tilespmem:v9+s18+$0x0], $0xffff;
	v3 =	vadd.f32 v4, v3;
	v4 =	vmul.f32 v6, v34  }
0x2cb: {  	v6 =	vor.u32 $0x27, v2;
	v7 =	vmax.f32 v7, $0.0e+00  }
0x2cc: {  	v10 =	vld.idx.msk [tilespmem:v10+s18+$0x0], $0xffff;
	v3 =	vadd.f32 v4, v3;
	v4 =	vmul.f32 v7, v35  }
0x2cd: {  	v7 =	vor.u32 $0x28, v2;
	v8 =	vmax.f32 v8, $0.0e+00  }
0x2ce: {  	v5 =	vld.idx.msk [tilespmem:v5+s18+$0x0], $0xffff;
	v3 =	vadd.f32 v4, v3;
	v4 =	vmul.f32 v8, v36  }
0x2cf: {  	v8 =	vor.u32 $0x29, v2;
	v9 =	vmax.f32 v9, $0.0e+00  }
0x2d0: {  	v6 =	vld.idx.msk [tilespmem:v6+s18+$0x0], $0xffff;
	v3 =	vadd.f32 v4, v3;
	v4 =	vmul.f32 v9, v37  }
0x2d1: {  	v9 =	vor.u32 $0x2A, v2;
	v10 =	vmax.f32 v10, $0.0e+00  }
0x2d2: {  	v7 =	vld.idx.msk [tilespmem:v7+s18+$0x0], $0xffff;
	v3 =	vadd.f32 v4, v3;
	v4 =	vmul.f32 v10, v38  }
0x2d3: {  	v10 =	vor.u32 $0x2B, v2;
	v5 =	vmax.f32 v5, $0.0e+00  }
0x2d4: {  	v8 =	vld.idx.msk [tilespmem:v8+s18+$0x0], $0xffff;
	v3 =	vadd.f32 v4, v3;
	v4 =	vmul.f32 v5, v39  }
0x2d5: {  	v5 =	vor.u32 $0x2C, v2;
	v6 =	vmax.f32 v6, $0.0e+00  }
0x2d6: {  	v9 =	vld.idx.msk [tilespmem:v9+s18+$0x0], $0xffff;
	v3 =	vadd.f32 v4, v3;
	v4 =	vmul.f32 v6, v40  }
0x2d7: {  	v6 =	vor.u32 $0x2D, v2;
	v7 =	vmax.f32 v7, $0.0e+00  }
0x2d8: {  	v10 =	vld.idx.msk [tilespmem:v10+s18+$0x0], $0xffff;
	v3 =	vadd.f32 v4, v3;
	v4 =	vmul.f32 v7, v41  }
0x2d9: {  	v7 =	vor.u32 $0x2E, v2;
	v8 =	vmax.f32 v8, $0.0e+00  }
0x2da: {  	v5 =	vld.idx.msk [tilespmem:v5+s18+$0x0], $0xffff;
	v3 =	vadd.f32 v4, v3;
	v4 =	vmul.f32 v8, v42  }
0x2db: {  	v8 =	vor.u32 $0x2F, v2;
	v9 =	vmax.f32 v9, $0.0e+00  }
0x2dc: {  	v6 =	vld.idx.msk [tilespmem:v6+s18+$0x0], $0xffff;
	v3 =	vadd.f32 v4, v3;
	v4 =	vmul.f32 v9, v43  }
0x2dd: {  	v9 =	vor.u32 $0x30, v2;
	v10 =	vmax.f32 v10, $0.0e+00  }
0x2de: {  	v7 =	vld.idx.msk [tilespmem:v7+s18+$0x0], $0xffff;
	v3 =	vadd.f32 v4, v3;
	v4 =	vmul.f32 v10, v44  }
0x2df: {  	v10 =	vor.u32 $0x31, v2;
	v5 =	vmax.f32 v5, $0.0e+00  }
0x2e0: {  	v8 =	vld.idx.msk [tilespmem:v8+s18+$0x0], $0xffff;
	v3 =	vadd.f32 v4, v3;
	v4 =	vmul.f32 v5, v45  }
0x2e1: {  	v5 =	vor.u32 $0x32, v2;
	v6 =	vmax.f32 v6, $0.0e+00  }
0x2e2: {  	v9 =	vld.idx.msk [tilespmem:v9+s18+$0x0], $0xffff;
	v3 =	vadd.f32 v4, v3;
	v4 =	vmul.f32 v6, v46  }
0x2e3: {  	v6 =	vor.u32 $0x33, v2;
	v7 =	vmax.f32 v7, $0.0e+00  }
0x2e4: {  	v10 =	vld.idx.msk [tilespmem:v10+s18+$0x0], $0xffff;
	v3 =	vadd.f32 v4, v3;
	v4 =	vmul.f32 v7, v47  }
0x2e5: {  	v7 =	vor.u32 $0x34, v2;
	v8 =	vmax.f32 v8, $0.0e+00  }
0x2e6: {  	v5 =	vld.idx.msk [tilespmem:v5+s18+$0x0], $0xffff;
	v3 =	vadd.f32 v4, v3;
	v4 =	vmul.f32 v8, v48  }
0x2e7: {  	v8 =	vor.u32 $0x35, v2;
	v9 =	vmax.f32 v9, $0.0e+00  }
0x2e8: {  	v6 =	vld.idx.msk [tilespmem:v6+s18+$0x0], $0xffff;
	v3 =	vadd.f32 v4, v3;
	v4 =	vmul.f32 v9, v49  }
0x2e9: {  	v9 =	vor.u32 $0x36, v2;
	v10 =	vmax.f32 v10, $0.0e+00  }
0x2ea: {  	v7 =	vld.idx.msk [tilespmem:v7+s18+$0x0], $0xffff;
	v3 =	vadd.f32 v4, v3;
	v4 =	vmul.f32 v10, v50  }
0x2eb: {  	v10 =	vor.u32 $0x37, v2;
	v5 =	vmax.f32 v5, $0.0e+00  }
0x2ec: {  	v8 =	vld.idx.msk [tilespmem:v8+s18+$0x0], $0xffff;
	v3 =	vadd.f32 v4, v3;
	v4 =	vmul.f32 v5, v51  }
0x2ed: {  	v5 =	vor.u32 $0x38, v2;
	v6 =	vmax.f32 v6, $0.0e+00  }
0x2ee: {  	v9 =	vld.idx.msk [tilespmem:v9+s18+$0x0], $0xffff;
	v3 =	vadd.f32 v4, v3;
	v4 =	vmul.f32 v6, v52  }
0x2ef: {  	v6 =	vor.u32 $0x39, v2;
	v7 =	vmax.f32 v7, $0.0e+00  }
0x2f0: {  	v10 =	vld.idx.msk [tilespmem:v10+s18+$0x0], $0xffff;
	v3 =	vadd.f32 v4, v3;
	v4 =	vmul.f32 v7, v53  }
0x2f1: {  	v7 =	vor.u32 $0x3A, v2;
	v8 =	vmax.f32 v8, $0.0e+00  }
0x2f2: {  	v5 =	vld.idx.msk [tilespmem:v5+s18+$0x0], $0xffff;
	v3 =	vadd.f32 v4, v3;
	v4 =	vmul.f32 v8, v54  }
0x2f3: {  	v8 =	vor.u32 $0x3B, v2;
	v9 =	vmax.f32 v9, $0.0e+00  }
0x2f4: {  	v6 =	vld.idx.msk [tilespmem:v6+s18+$0x0], $0xffff;
	v3 =	vadd.f32 v4, v3;
	v4 =	vmul.f32 v9, v55  }
0x2f5: {  	v9 =	vor.u32 $0x3C, v2;
	v10 =	vmax.f32 v10, $0.0e+00  }
0x2f6: {  	v7 =	vld.idx.msk [tilespmem:v7+s18+$0x0], $0xffff;
	v3 =	vadd.f32 v4, v3;
	v4 =	vmul.f32 v10, v56  }
0x2f7: {  	v10 =	vor.u32 $0x3D, v2;
	v5 =	vmax.f32 v5, $0.0e+00  }
0x2f8: {  	v8 =	vld.idx.msk [tilespmem:v8+s18+$0x0], $0xffff;
	v3 =	vadd.f32 v4, v3;
	v4 =	vmul.f32 v5, v57  }
0x2f9: {  	v5 =	vor.u32 $0x3E, v2;
	v6 =	vmax.f32 v6, $0.0e+00  }
0x2fa: {  	v9 =	vld.idx.msk [tilespmem:v9+s18+$0x0], $0xffff;
	v3 =	vadd.f32 v4, v3;
	v4 =	vmul.f32 v6, v58  }
0x2fb: {  	v2 =	vor.u32 $0x3F, v2;
	v6 =	vmax.f32 v7, $0.0e+00  }
0x2fc: {  	v7 =	vld.idx.msk [tilespmem:v10+s18+$0x0], $0xffff;
	v3 =	vadd.f32 v4, v3;
	v4 =	vmul.f32 v6, v59  }
0x2fd: {  	v6 =	vmax.f32 v8, $0.0e+00  }
0x2fe: {  	v5 =	vld.idx.msk [tilespmem:v5+s18+$0x0], $0xffff;
	v3 =	vadd.f32 v4, v3;
	v4 =	vmul.f32 v6, v60  }
0x2ff: {  	v6 =	vmax.f32 v9, $0.0e+00  }
0x300: {  	v2 =	vld.idx.msk [tilespmem:v2+s18+$0x0], $0xffff;
	v3 =	vadd.f32 v4, v3;
	v4 =	vmul.f32 v6, v61  }
0x301: {  	v6 =	vmax.f32 v7, $0.0e+00  }
0x302: {  	v3 =	vadd.f32 v4, v3;
	v4 =	vmul.f32 v6, v62  }
0x303: {  	v5 =	vmax.f32 v5, $0.0e+00  }
0x304: {  	s29 =	sadd.s32 $0x10, s29;
	v6 =	vmul.f32 v5, v63;
	v3 =	vadd.f32 v4, v3  }
0x305: {  	v2 =	vmax.f32 v2, $0.0e+00;
	v5 =	vld [tilespmem:s29+$0x0]  }
0x306: {  	v2 =	vmul.f32 v2, v0;
	v3 =	vadd.f32 v6, v3;
	_ =	sdelay $0x1  }
0x307: {  	v2 =	vadd.f32 v2, v3;
	_ =	sdelay $0x1  }
0x308: {  	v2 =	vadd.f32 v2, v5;
	_ =	sdelay $0x1  }
0x309: {  	v2 =	vsub.f32 $0.0e+00, v2;
	_ =	sdelay $0x1  }
0x30a: {  	v2 =	vmul.f32 $1.442695020e+00, v2;
	_ =	sdelay $0x1  }
0x30b: {  	(erf) = vpow2.f32 v2;
	_ =	sdelay $0x6  }
0x30c: {  	p0 =	sne.s32 s31, $0x70  }
.Ltmp0:
0x30d: {  	_ = 	snop;
	(pc) =	sbr.rel @p0 .LBB2_3-.Ltmp0, $4  }
0x30e: {  	v2 =	vpop (erf)  }
0x30f: {  	v2 =	vadd.f32 $1.000000000e+00, v2  }
0x310: {  	s30 =	sadd.s32 $0x10, s30  }
0x311: {  	v4 =	vmov v11;
	v3 =	vld [tilespmem:s30+$0x0];
	(erf) = vrcp.f32 v2;
	v2 =	vmov s31;
	s31 =	sadd.s32 $0x10, s31  }
0x312: {  	_ =	sdelay $0x5  }
0x313: {  	v2 =	vshll.u32 v2, $0x6  }
0x314: {  	v2 =	vor.u32 v4, v2  }
0x315: {  	v5 =	vpop (erf)  }
0x316: {  	v4 =	vor.u32 $0x1, v2;
	v3 =	vmul.f32 v5, v3  }
0x317: {  	s28 =	sadd.s32 $0x10, s28  }
0x318: {  	[tilespmem:s28+$0x0] =	vst v3  }
0x319: {  	v3 =	vld.idx.msk [tilespmem:v2+s18+$0x0], $0xffff  }
0x31a: {  	v9 =	vld [tilespmem:$0x1FE80]  }
0x31b: {  	v4 =	vld.idx.msk [tilespmem:v4+s18+$0x0], $0xffff  }
0x31c: {  	v10 =	vld [tilespmem:$0x1FE90]  }
0x31d: {  	[tilespmem:$0x1F6C0] =	vst v5;
	v5 =	vor.u32 $0x2, v2  }
0x31e: {  	v3 =	vmax.f32 v3, $0.0e+00  }
0x31f: {  	v3 =	vmul.f32 v3, v9  }
0x320: {  	v4 =	vmax.f32 v4, $0.0e+00  }
0x321: {  	v4 =	vmul.f32 v4, v10;
	v3 =	vadd.f32 $0.0e+00, v3  }
0x322: {  	v5 =	vld.idx.msk [tilespmem:v5+s18+$0x0], $0xffff  }
0x323: {  	v3 =	vadd.f32 v4, v3;
	v4 =	vld [tilespmem:$0x1FEA0]  }
0x324: {  	v6 =	vor.u32 $0x3, v2;
	_ =	sdelay $0x2  }
0x325: {  	v5 =	vmax.f32 v5, $0.0e+00  }
0x326: {  	v4 =	vmul.f32 v5, v4  }
0x327: {  	v6 =	vld.idx.msk [tilespmem:v6+s18+$0x0], $0xffff  }
0x328: {  	v3 =	vadd.f32 v4, v3;
	v4 =	vld [tilespmem:$0x1FEB0]  }
0x329: {  	v7 =	vor.u32 $0x4, v2;
	_ =	sdelay $0x2  }
0x32a: {  	v6 =	vmax.f32 v6, $0.0e+00  }
0x32b: {  	v4 =	vmul.f32 v6, v4  }
0x32c: {  	v7 =	vld.idx.msk [tilespmem:v7+s18+$0x0], $0xffff  }
0x32d: {  	v3 =	vadd.f32 v4, v3;
	v4 =	vld [tilespmem:$0x1FEC0]  }
0x32e: {  	v8 =	vor.u32 $0x5, v2;
	_ =	sdelay $0x2  }
0x32f: {  	v7 =	vmax.f32 v7, $0.0e+00  }
0x330: {  	v4 =	vmul.f32 v7, v4  }
0x331: {  	v8 =	vld.idx.msk [tilespmem:v8+s18+$0x0], $0xffff  }
0x332: {  	v3 =	vadd.f32 v4, v3;
	v4 =	vld [tilespmem:$0x1FED0]  }
0x333: {  	v9 =	vor.u32 $0x6, v2;
	_ =	sdelay $0x2  }
0x334: {  	v8 =	vmax.f32 v8, $0.0e+00  }
0x335: {  	v4 =	vmul.f32 v8, v4  }
0x336: {  	v9 =	vld.idx.msk [tilespmem:v9+s18+$0x0], $0xffff  }
0x337: {  	v3 =	vadd.f32 v4, v3;
	v4 =	vld [tilespmem:$0x1FEE0]  }
0x338: {  	v10 =	vor.u32 $0x7, v2;
	_ =	sdelay $0x2  }
0x339: {  	v9 =	vmax.f32 v9, $0.0e+00  }
0x33a: {  	v4 =	vmul.f32 v9, v4  }
0x33b: {  	v10 =	vld.idx.msk [tilespmem:v10+s18+$0x0], $0xffff  }
0x33c: {  	v3 =	vadd.f32 v4, v3;
	v4 =	vld [tilespmem:$0x1FEF0]  }
0x33d: {  	v5 =	vor.u32 $0x8, v2;
	_ =	sdelay $0x2  }
0x33e: {  	v10 =	vmax.f32 v10, $0.0e+00  }
0x33f: {  	v4 =	vmul.f32 v10, v4  }
0x340: {  	v5 =	vld.idx.msk [tilespmem:v5+s18+$0x0], $0xffff  }
0x341: {  	v3 =	vadd.f32 v4, v3;
	v4 =	vld [tilespmem:$0x1FF00]  }
0x342: {  	v6 =	vor.u32 $0x9, v2;
	_ =	sdelay $0x2  }
0x343: {  	v5 =	vmax.f32 v5, $0.0e+00  }
0x344: {  	v4 =	vmul.f32 v5, v4  }
0x345: {  	v6 =	vld.idx.msk [tilespmem:v6+s18+$0x0], $0xffff  }
0x346: {  	v3 =	vadd.f32 v4, v3;
	v4 =	vld [tilespmem:$0x1FF10]  }
0x347: {  	v7 =	vor.u32 $0xA, v2;
	_ =	sdelay $0x1  }
0x348: {  	v8 =	vor.u32 $0xB, v2  }
0x349: {  	v6 =	vmax.f32 v6, $0.0e+00  }
0x34a: {  	v9 =	vor.u32 $0xC, v2;
	v4 =	vmul.f32 v6, v4  }
0x34b: {  	v7 =	vld.idx.msk [tilespmem:v7+s18+$0x0], $0xffff  }
0x34c: {  	v10 =	vor.u32 $0xD, v2;
	v3 =	vadd.f32 v4, v3;
	v4 =	vld [tilespmem:$0x1FF20]  }
0x34d: {  	v8 =	vld.idx.msk [tilespmem:v8+s18+$0x0], $0xffff  }
0x34e: {  	v5 =	vor.u32 $0xE, v2  }
0x34f: {  	v9 =	vld.idx.msk [tilespmem:v9+s18+$0x0], $0xffff  }
0x350: {  	v7 =	vmax.f32 v7, $0.0e+00;
	v6 =	vor.u32 $0xF, v2  }
0x351: {  	v10 =	vld.idx.msk [tilespmem:v10+s18+$0x0], $0xffff;
	v4 =	vmul.f32 v7, v4  }
0x352: {  	v8 =	vmax.f32 v8, $0.0e+00;
	v7 =	vor.u32 $0x10, v2  }
0x353: {  	v5 =	vld.idx.msk [tilespmem:v5+s18+$0x0], $0xffff;
	v3 =	vadd.f32 v4, v3;
	v4 =	vmul.f32 v8, v15  }
0x354: {  	v9 =	vmax.f32 v9, $0.0e+00;
	v8 =	vor.u32 $0x11, v2  }
0x355: {  	v6 =	vld.idx.msk [tilespmem:v6+s18+$0x0], $0xffff;
	v3 =	vadd.f32 v4, v3;
	v4 =	vmul.f32 v9, v19  }
0x356: {  	v10 =	vmax.f32 v10, $0.0e+00;
	v9 =	vor.u32 $0x12, v2  }
0x357: {  	v7 =	vld.idx.msk [tilespmem:v7+s18+$0x0], $0xffff;
	v3 =	vadd.f32 v4, v3;
	v4 =	vmul.f32 v10, v13  }
0x358: {  	v5 =	vmax.f32 v5, $0.0e+00;
	v10 =	vor.u32 $0x13, v2  }
0x359: {  	v8 =	vld.idx.msk [tilespmem:v8+s18+$0x0], $0xffff;
	v3 =	vadd.f32 v4, v3;
	v4 =	vmul.f32 v5, v20  }
0x35a: {  	v6 =	vmax.f32 v6, $0.0e+00;
	v5 =	vor.u32 $0x14, v2  }
0x35b: {  	v9 =	vld.idx.msk [tilespmem:v9+s18+$0x0], $0xffff;
	v3 =	vadd.f32 v4, v3;
	v4 =	vmul.f32 v6, v21  }
0x35c: {  	v6 =	vor.u32 $0x15, v2;
	v7 =	vmax.f32 v7, $0.0e+00  }
0x35d: {  	v10 =	vld.idx.msk [tilespmem:v10+s18+$0x0], $0xffff;
	v3 =	vadd.f32 v4, v3;
	v4 =	vmul.f32 v7, v16  }
0x35e: {  	v7 =	vor.u32 $0x16, v2;
	v8 =	vmax.f32 v8, $0.0e+00  }
0x35f: {  	v5 =	vld.idx.msk [tilespmem:v5+s18+$0x0], $0xffff;
	v3 =	vadd.f32 v4, v3;
	v4 =	vmul.f32 v8, v22  }
0x360: {  	v8 =	vor.u32 $0x17, v2;
	v9 =	vmax.f32 v9, $0.0e+00  }
0x361: {  	v6 =	vld.idx.msk [tilespmem:v6+s18+$0x0], $0xffff;
	v3 =	vadd.f32 v4, v3;
	v4 =	vmul.f32 v9, v14  }
0x362: {  	v9 =	vor.u32 $0x18, v2;
	v10 =	vmax.f32 v10, $0.0e+00  }
0x363: {  	v7 =	vld.idx.msk [tilespmem:v7+s18+$0x0], $0xffff;
	v3 =	vadd.f32 v4, v3;
	v4 =	vmul.f32 v10, v17  }
0x364: {  	v10 =	vor.u32 $0x19, v2;
	v5 =	vmax.f32 v5, $0.0e+00  }
0x365: {  	v8 =	vld.idx.msk [tilespmem:v8+s18+$0x0], $0xffff;
	v3 =	vadd.f32 v4, v3;
	v4 =	vmul.f32 v5, v23  }
0x366: {  	v5 =	vor.u32 $0x1A, v2;
	v6 =	vmax.f32 v6, $0.0e+00  }
0x367: {  	v9 =	vld.idx.msk [tilespmem:v9+s18+$0x0], $0xffff;
	v3 =	vadd.f32 v4, v3;
	v4 =	vmul.f32 v6, v12  }
0x368: {  	v6 =	vor.u32 $0x1B, v2;
	v7 =	vmax.f32 v7, $0.0e+00  }
0x369: {  	v10 =	vld.idx.msk [tilespmem:v10+s18+$0x0], $0xffff;
	v3 =	vadd.f32 v4, v3;
	v4 =	vmul.f32 v7, v24  }
0x36a: {  	v7 =	vor.u32 $0x1C, v2;
	v8 =	vmax.f32 v8, $0.0e+00  }
0x36b: {  	v5 =	vld.idx.msk [tilespmem:v5+s18+$0x0], $0xffff;
	v3 =	vadd.f32 v4, v3;
	v4 =	vmul.f32 v8, v18  }
0x36c: {  	v8 =	vor.u32 $0x1D, v2;
	v9 =	vmax.f32 v9, $0.0e+00  }
0x36d: {  	v6 =	vld.idx.msk [tilespmem:v6+s18+$0x0], $0xffff;
	v3 =	vadd.f32 v4, v3;
	v4 =	vmul.f32 v9, v25  }
0x36e: {  	v9 =	vor.u32 $0x1E, v2;
	v10 =	vmax.f32 v10, $0.0e+00  }
0x36f: {  	v7 =	vld.idx.msk [tilespmem:v7+s18+$0x0], $0xffff;
	v3 =	vadd.f32 v4, v3;
	v4 =	vmul.f32 v10, v26  }
0x370: {  	v10 =	vor.u32 $0x1F, v2;
	v5 =	vmax.f32 v5, $0.0e+00  }
0x371: {  	v8 =	vld.idx.msk [tilespmem:v8+s18+$0x0], $0xffff;
	v3 =	vadd.f32 v4, v3;
	v4 =	vmul.f32 v5, v27  }
0x372: {  	v5 =	vor.u32 $0x20, v2;
	v6 =	vmax.f32 v6, $0.0e+00  }
0x373: {  	v9 =	vld.idx.msk [tilespmem:v9+s18+$0x0], $0xffff;
	v3 =	vadd.f32 v4, v3;
	v4 =	vmul.f32 v6, v28  }
0x374: {  	v6 =	vor.u32 $0x21, v2;
	v7 =	vmax.f32 v7, $0.0e+00  }
0x375: {  	v10 =	vld.idx.msk [tilespmem:v10+s18+$0x0], $0xffff;
	v3 =	vadd.f32 v4, v3;
	v4 =	vmul.f32 v7, v29  }
0x376: {  	v7 =	vor.u32 $0x22, v2;
	v8 =	vmax.f32 v8, $0.0e+00  }
0x377: {  	v5 =	vld.idx.msk [tilespmem:v5+s18+$0x0], $0xffff;
	v3 =	vadd.f32 v4, v3;
	v4 =	vmul.f32 v8, v30  }
0x378: {  	v8 =	vor.u32 $0x23, v2;
	v9 =	vmax.f32 v9, $0.0e+00  }
0x379: {  	v6 =	vld.idx.msk [tilespmem:v6+s18+$0x0], $0xffff;
	v3 =	vadd.f32 v4, v3;
	v4 =	vmul.f32 v9, v31  }
0x37a: {  	v9 =	vor.u32 $0x24, v2;
	v10 =	vmax.f32 v10, $0.0e+00  }
0x37b: {  	v7 =	vld.idx.msk [tilespmem:v7+s18+$0x0], $0xffff;
	v3 =	vadd.f32 v4, v3;
	v4 =	vmul.f32 v10, v32  }
0x37c: {  	v10 =	vor.u32 $0x25, v2;
	v5 =	vmax.f32 v5, $0.0e+00  }
0x37d: {  	v8 =	vld.idx.msk [tilespmem:v8+s18+$0x0], $0xffff;
	v3 =	vadd.f32 v4, v3;
	v4 =	vmul.f32 v5, v33  }
0x37e: {  	v5 =	vor.u32 $0x26, v2;
	v6 =	vmax.f32 v6, $0.0e+00  }
0x37f: {  	v9 =	vld.idx.msk [tilespmem:v9+s18+$0x0], $0xffff;
	v3 =	vadd.f32 v4, v3;
	v4 =	vmul.f32 v6, v34  }
0x380: {  	v6 =	vor.u32 $0x27, v2;
	v7 =	vmax.f32 v7, $0.0e+00  }
0x381: {  	v10 =	vld.idx.msk [tilespmem:v10+s18+$0x0], $0xffff;
	v3 =	vadd.f32 v4, v3;
	v4 =	vmul.f32 v7, v35  }
0x382: {  	v7 =	vor.u32 $0x28, v2;
	v8 =	vmax.f32 v8, $0.0e+00  }
0x383: {  	v5 =	vld.idx.msk [tilespmem:v5+s18+$0x0], $0xffff;
	v3 =	vadd.f32 v4, v3;
	v4 =	vmul.f32 v8, v36  }
0x384: {  	v8 =	vor.u32 $0x29, v2;
	v9 =	vmax.f32 v9, $0.0e+00  }
0x385: {  	v6 =	vld.idx.msk [tilespmem:v6+s18+$0x0], $0xffff;
	v3 =	vadd.f32 v4, v3;
	v4 =	vmul.f32 v9, v37  }
0x386: {  	v9 =	vor.u32 $0x2A, v2;
	v10 =	vmax.f32 v10, $0.0e+00  }
0x387: {  	v7 =	vld.idx.msk [tilespmem:v7+s18+$0x0], $0xffff;
	v3 =	vadd.f32 v4, v3;
	v4 =	vmul.f32 v10, v38  }
0x388: {  	v10 =	vor.u32 $0x2B, v2;
	v5 =	vmax.f32 v5, $0.0e+00  }
0x389: {  	v8 =	vld.idx.msk [tilespmem:v8+s18+$0x0], $0xffff;
	v3 =	vadd.f32 v4, v3;
	v4 =	vmul.f32 v5, v39  }
0x38a: {  	v5 =	vor.u32 $0x2C, v2;
	v6 =	vmax.f32 v6, $0.0e+00  }
0x38b: {  	v9 =	vld.idx.msk [tilespmem:v9+s18+$0x0], $0xffff;
	v3 =	vadd.f32 v4, v3;
	v4 =	vmul.f32 v6, v40  }
0x38c: {  	v6 =	vor.u32 $0x2D, v2;
	v7 =	vmax.f32 v7, $0.0e+00  }
0x38d: {  	v10 =	vld.idx.msk [tilespmem:v10+s18+$0x0], $0xffff;
	v3 =	vadd.f32 v4, v3;
	v4 =	vmul.f32 v7, v41  }
0x38e: {  	v7 =	vor.u32 $0x2E, v2;
	v8 =	vmax.f32 v8, $0.0e+00  }
0x38f: {  	v5 =	vld.idx.msk [tilespmem:v5+s18+$0x0], $0xffff;
	v3 =	vadd.f32 v4, v3;
	v4 =	vmul.f32 v8, v42  }
0x390: {  	v8 =	vor.u32 $0x2F, v2;
	v9 =	vmax.f32 v9, $0.0e+00  }
0x391: {  	v6 =	vld.idx.msk [tilespmem:v6+s18+$0x0], $0xffff;
	v3 =	vadd.f32 v4, v3;
	v4 =	vmul.f32 v9, v43  }
0x392: {  	v9 =	vor.u32 $0x30, v2;
	v10 =	vmax.f32 v10, $0.0e+00  }
0x393: {  	v7 =	vld.idx.msk [tilespmem:v7+s18+$0x0], $0xffff;
	v3 =	vadd.f32 v4, v3;
	v4 =	vmul.f32 v10, v44  }
0x394: {  	v10 =	vor.u32 $0x31, v2;
	v5 =	vmax.f32 v5, $0.0e+00  }
0x395: {  	v8 =	vld.idx.msk [tilespmem:v8+s18+$0x0], $0xffff;
	v3 =	vadd.f32 v4, v3;
	v4 =	vmul.f32 v5, v45  }
0x396: {  	v5 =	vor.u32 $0x32, v2;
	v6 =	vmax.f32 v6, $0.0e+00  }
0x397: {  	v9 =	vld.idx.msk [tilespmem:v9+s18+$0x0], $0xffff;
	v3 =	vadd.f32 v4, v3;
	v4 =	vmul.f32 v6, v46  }
0x398: {  	v6 =	vor.u32 $0x33, v2;
	v7 =	vmax.f32 v7, $0.0e+00  }
0x399: {  	v10 =	vld.idx.msk [tilespmem:v10+s18+$0x0], $0xffff;
	v3 =	vadd.f32 v4, v3;
	v4 =	vmul.f32 v7, v47  }
0x39a: {  	v7 =	vor.u32 $0x34, v2;
	v8 =	vmax.f32 v8, $0.0e+00  }
0x39b: {  	v5 =	vld.idx.msk [tilespmem:v5+s18+$0x0], $0xffff;
	v3 =	vadd.f32 v4, v3;
	v4 =	vmul.f32 v8, v48  }
0x39c: {  	v8 =	vor.u32 $0x35, v2;
	v9 =	vmax.f32 v9, $0.0e+00  }
0x39d: {  	v6 =	vld.idx.msk [tilespmem:v6+s18+$0x0], $0xffff;
	v3 =	vadd.f32 v4, v3;
	v4 =	vmul.f32 v9, v49  }
0x39e: {  	v9 =	vor.u32 $0x36, v2;
	v10 =	vmax.f32 v10, $0.0e+00  }
0x39f: {  	v7 =	vld.idx.msk [tilespmem:v7+s18+$0x0], $0xffff;
	v3 =	vadd.f32 v4, v3;
	v4 =	vmul.f32 v10, v50  }
0x3a0: {  	v10 =	vor.u32 $0x37, v2;
	v5 =	vmax.f32 v5, $0.0e+00  }
0x3a1: {  	v8 =	vld.idx.msk [tilespmem:v8+s18+$0x0], $0xffff;
	v3 =	vadd.f32 v4, v3;
	v4 =	vmul.f32 v5, v51  }
0x3a2: {  	v5 =	vor.u32 $0x38, v2;
	v6 =	vmax.f32 v6, $0.0e+00  }
0x3a3: {  	v9 =	vld.idx.msk [tilespmem:v9+s18+$0x0], $0xffff;
	v3 =	vadd.f32 v4, v3;
	v4 =	vmul.f32 v6, v52  }
0x3a4: {  	v6 =	vor.u32 $0x39, v2;
	v7 =	vmax.f32 v7, $0.0e+00  }
0x3a5: {  	v10 =	vld.idx.msk [tilespmem:v10+s18+$0x0], $0xffff;
	v3 =	vadd.f32 v4, v3;
	v4 =	vmul.f32 v7, v53  }
0x3a6: {  	v7 =	vor.u32 $0x3A, v2;
	v8 =	vmax.f32 v8, $0.0e+00  }
0x3a7: {  	v5 =	vld.idx.msk [tilespmem:v5+s18+$0x0], $0xffff;
	v3 =	vadd.f32 v4, v3;
	v4 =	vmul.f32 v8, v54  }
0x3a8: {  	v8 =	vor.u32 $0x3B, v2;
	v9 =	vmax.f32 v9, $0.0e+00  }
0x3a9: {  	v6 =	vld.idx.msk [tilespmem:v6+s18+$0x0], $0xffff;
	v3 =	vadd.f32 v4, v3;
	v4 =	vmul.f32 v9, v55  }
0x3aa: {  	v9 =	vor.u32 $0x3C, v2;
	v10 =	vmax.f32 v10, $0.0e+00  }
0x3ab: {  	v7 =	vld.idx.msk [tilespmem:v7+s18+$0x0], $0xffff;
	v3 =	vadd.f32 v4, v3;
	v4 =	vmul.f32 v10, v56  }
0x3ac: {  	v10 =	vor.u32 $0x3D, v2;
	v5 =	vmax.f32 v5, $0.0e+00  }
0x3ad: {  	v8 =	vld.idx.msk [tilespmem:v8+s18+$0x0], $0xffff;
	v3 =	vadd.f32 v4, v3;
	v4 =	vmul.f32 v5, v57  }
0x3ae: {  	v5 =	vor.u32 $0x3E, v2;
	v6 =	vmax.f32 v6, $0.0e+00  }
0x3af: {  	v6 =	vmul.f32 v6, v58;
	v3 =	vadd.f32 v4, v3;
	v4 =	vld.idx.msk [tilespmem:v9+s18+$0x0], $0xffff  }
0x3b0: {  	v2 =	vor.u32 $0x3F, v2;
	v7 =	vmax.f32 v7, $0.0e+00  }
0x3b1: {  	v7 =	vmul.f32 v7, v59;
	v3 =	vadd.f32 v6, v3;
	v6 =	vld.idx.msk [tilespmem:v10+s18+$0x0], $0xffff  }
0x3b2: {  	v8 =	vmax.f32 v8, $0.0e+00  }
0x3b3: {  	v5 =	vld.idx.msk [tilespmem:v5+s18+$0x0], $0xffff;
	v3 =	vadd.f32 v7, v3;
	v7 =	vmul.f32 v8, v60  }
0x3b4: {  	v4 =	vmax.f32 v4, $0.0e+00  }
0x3b5: {  	v2 =	vld.idx.msk [tilespmem:v2+s18+$0x0], $0xffff;
	v3 =	vadd.f32 v7, v3;
	v4 =	vmul.f32 v4, v61  }
0x3b6: {  	v6 =	vmax.f32 v6, $0.0e+00  }
0x3b7: {  	v3 =	vadd.f32 v4, v3;
	v4 =	vmul.f32 v6, v62  }
0x3b8: {  	v5 =	vmax.f32 v5, $0.0e+00  }
0x3b9: {  	s29 =	sadd.s32 $0x10, s29;
	v3 =	vadd.f32 v4, v3;
	v4 =	vmul.f32 v5, v63  }
0x3ba: {  	v2 =	vmax.f32 v2, $0.0e+00;
	v5 =	vld [tilespmem:s29+$0x0]  }
0x3bb: {  	v2 =	vmul.f32 v2, v0;
	v3 =	vadd.f32 v4, v3;
	_ =	sdelay $0x1  }
0x3bc: {  	v2 =	vadd.f32 v2, v3;
	_ =	sdelay $0x1  }
0x3bd: {  	v2 =	vadd.f32 v2, v5;
	_ =	sdelay $0x1  }
0x3be: {  	v2 =	vsub.f32 $0.0e+00, v2;
	_ =	sdelay $0x1  }
0x3bf: {  	v2 =	vmul.f32 $1.442695020e+00, v2;
	_ =	sdelay $0x1  }
0x3c0: {  	(erf) = vpow2.f32 v2;
	_ =	sdelay $0x8  }
0x3c1: {  	v2 =	vpop (erf)  }
0x3c2: {  	v2 =	vadd.f32 $1.000000000e+00, v2;
	_ =	sdelay $0x1  }
0x3c3: {  	(erf) = vrcp.f32 v2;
	_ =	sdelay $0x3  }
0x3c4: {  	s31 =	sadd.s32 $0x10, s30  }
0x3c5: {  	v2 =	vld [tilespmem:s31+$0x0];
	_ =	sdelay $0x3  }
0x3c6: {  	v3 =	vpop (erf)  }
0x3c7: {  	v2 =	vmul.f32 v3, v2  }
0x3c8: {  	s28 =	sadd.s32 $0x10, s28  }
0x3c9: {  	[tilespmem:s28+$0x0] =	vst v2;
	v2 =	vld [tilespmem:$0x1F6C0];
	_ =	sdelay $0x1  }
0x3ca: {  	s26 =	sadd.s32 s4, s26;
	s25 =	sadd.s32 $0x1, s25  }
0x3cb: {  	s26 =	sshrl.u32 s26, $0x3;
	p0 =	sne.s32 s25, $0x28  }
.Ltmp1:
0x3cc: {  	s26 =	sadd.s32 s7, s26;
	(pc) =	sbr.rel @p0 .LBB2_2-.Ltmp1, $4  }
0x3cd: {  	[hbm4b:s26+s3] =	stream.linear.scatter [tilespmem:s20], [sflag:$0x2], $0x80, $0x38;
	v1 =	vadd.f32 v2, v1;
	[tilespmem:$0x70D0] =	vst v63  }
0x3ce: {  	_ =	swait.ge [sflag:s14], $0x80  }
0x3cf: {  	[sflag:s14] =	ssyncset.done $0x0;
	v1 =	vadd.f32 v3, v1  }
0x3d0: {  	s23 =	sadd.s32 $0x80, s23;
	s24 =	sadd.s32 $0x80, s24;
	v4 =	vmov v11;
	[sflag:s14] =	ssyncadd.s32 $0xFFFFFF80  }
0x3d1: {  	s22 =	sadd.s32 $0x1, s22  }
0x3d2: {  	p0 =	sne.s32 s22, s13  }
.Ltmp2:
0x3d3: {  	[tilespmem:$0x70C0] =	vst v1;
	(pc) =	sbr.rel @p0 .LBB2_1-.Ltmp2, $4  }
0x3d4: {  	[hbm4b:s12+s3] =	stream.linear.scatter [tilespmem:s21], [sflag:$0x2], $0x10, $0x38;
	[tilespmem:$0x70D0] =	vst v63  }
0x3d5: {  	_ =	swait.ge [sflag:s14], $0x10  }
0x3d6: {  	[sflag:s14] =	ssyncset.done $0x0  }
0x3d7: {  	[sflag:s14] =	ssyncadd.s32 $0xFFFFFFF0  }
0x3d8: {  	_ =	sfence.sel $0x180000  }
0x3d9: {  	[bflag:$0x0] =	sbarrier.arrive $0xFFFF  }
0x3da: {  	p0 =	sne.s32 s0, $0x0;
	_ =	strace $0x90000047  }
0x3db: {  	s0 =	sadd.s32 @!p0 $0x100000, s1;
	[bflag:$0x2] =	sbarrier.arrive $0xFFFF  }
0x3dc: {  	[sflag:s0] =	ssyncadd.tile.s32 @!p0 $0x1;
	_ =	shalt  }
.Lfunc_end2:
_tile_overlayer_lowered:
.L_overlay_start_2:
0x3dd: {  	(tag) =	ssettag $0x2  }
0x3de: {  	s0 =	rddreg [dreg:$0x0];
	s2 =	stileid.u32  }
0x3df: {  	s1 =	rddreg [dreg:$0x1];
	p0 =	sne.s32 s2, $0x0  }
0x3e0: {  	s3 =	rddreg [dreg:$0x2];
	[bflag:$0x3] =	sbarrier.arrive $0xFFFF;
	s2 =	simm.s32 @!p0 $0x1C02  }
0x3e1: {  	[timem:s3], [sflag:s2] =	dma.local @!p0 [hbm:s0], s1  }
0x3e2: {  	s0 =	simm.s32 @!p0 $0x2  }
0x3e3: {  	_ =	swait.ge @!p0 [sflag:s0], s1  }
0x3e4: {  	s1 =	ssub.s32 @!p0 $0x0, s1;
	[sflag:s0] =	ssyncset.done @!p0 $0x0  }
0x3e5: {  	[sflag:s0] =	ssyncadd.s32 @!p0 s1  }
0x3e6: {  	[bflag:$0x3] =	sbarrier.arrive $0xFFFF  }
0x3e7: {  	_ =	shalt  }

</sc_bundles>
